<compile_context>
chip_gen: v7x
topology: tpu7x:2x2x1
jax: 0.10.2.dev20260603
libtpu: 0.0.44.dev20260713+nightly
codegen_flags: <defaults>
</compile_context>

<pallas_src>
import functools

import jax
import jax.numpy as jnp
from jax import lax
from jax.experimental import pallas as pl
from jax.experimental.pallas import tpu as pltpu
from jax.experimental.pallas import tpu_sc as plsc

_STAT_MEDIAN = 0.0
_STAT_MAX = 1.0
_STAT_MIN = -1.0
_SCALE = 2.0 / (_STAT_MAX - _STAT_MIN)

_N_NODES = 10000
_D = 128
_E = 320000

_NC = 2
_NS = 16
_NW = _NC * _NS
_E_PER_W = _E // _NW
_CHUNK = 80
_N_CHUNKS = _E_PER_W // _CHUNK
_NBUF = 5
_IDXW = 10112


@functools.partial(
    pl.kernel,
    mesh=plsc.VectorSubcoreMesh(core_axis_name="c", subcore_axis_name="s"),
    out_type=jax.ShapeDtypeStruct((_E, _D), jnp.float32),
    scratch_types=(
        [pltpu.VMEM((_IDXW,), jnp.int32)] * 2
        + [pltpu.VMEM((_CHUNK, _D), jnp.float32)] * (2 * _NBUF)
        + [pltpu.SemaphoreType.DMA] * (2 * _NBUF)
    ),
)
def _edge_diff(table_hbm, ei_hbm, out_hbm, src_v, dst_v,
               u0, v0, u1, v1, u2, v2, u3, v3, u4, v4,
               g0, g1, g2, g3, g4, w0, w1, w2, w3, w4):
    cid = lax.axis_index("c")
    sid = lax.axis_index("s")
    wid = sid * _NC + cid
    base = wid * _E_PER_W

    start = pl.multiple_of((base // 128) * 128, 128)
    shift = base - start
    pltpu.sync_copy(ei_hbm.at[0, 0, pl.ds(start, _IDXW)], src_v)
    pltpu.sync_copy(ei_hbm.at[1, 0, pl.ds(start, _IDXW)], dst_v)

    bufs = ((u0, v0, g0, w0), (u1, v1, g1, w1), (u2, v2, g2, w2),
            (u3, v3, g3, w3), (u4, v4, g4, w4))

    def start_gather(c, k):
        ub, vb, g, _w = bufs[k]
        off = shift + c * _CHUNK
        pltpu.async_copy(table_hbm.at[src_v.at[pl.ds(off, _CHUNK)]], ub, g)
        pltpu.async_copy(table_hbm.at[dst_v.at[pl.ds(off, _CHUNK)]], vb, g)

    def wait_gather(c, k):
        ub, vb, g, _w = bufs[k]
        off = shift + c * _CHUNK
        pltpu.make_async_copy(
            table_hbm.at[src_v.at[pl.ds(off, _CHUNK)]], ub, g).wait()
        pltpu.make_async_copy(
            table_hbm.at[dst_v.at[pl.ds(off, _CHUNK)]], vb, g).wait()

    def start_write(c, k):
        ub, _v, _g, w = bufs[k]
        pltpu.async_copy(ub, out_hbm.at[pl.ds(base + c * _CHUNK, _CHUNK)], w)

    def wait_write(k):
        ub, _v, _g, w = bufs[k]
        pltpu.make_async_copy(ub, out_hbm.at[pl.ds(base, _CHUNK)], w).wait()

    def compute(k):
        ub, vb, _g, _w = bufs[k]

        def row(i, carry):
            for j in range(_D // 16):
                sl = pl.ds(j * 16, 16)
                ub[i, sl] = (ub[i, sl] - vb[i, sl]) * _SCALE
            return carry

        lax.fori_loop(0, _CHUNK, row, 0)

    start_gather(0, 0)
    start_gather(1, 1)
    start_gather(2, 2)

    def body(i, carry):
        for k in range(_NBUF):
            cc = _NBUF * i + k
            kn = (k + 3) % _NBUF
            pl.when(cc >= 2)(lambda: wait_write(kn))
            pl.when(cc + 3 < _N_CHUNKS)(lambda: start_gather(cc + 3, kn))
            wait_gather(cc, k)
            compute(k)
            start_write(cc, k)
        return carry

    lax.fori_loop(0, _N_CHUNKS // _NBUF, body, 0)

    wait_write(3)
    wait_write(4)


def _norm_body(x_ref, o_ref):
    o_ref[...] = (x_ref[...] - _STAT_MEDIAN) * _SCALE


_norm = pl.pallas_call(
    _norm_body,
    out_shape=jax.ShapeDtypeStruct((_N_NODES, _D), jnp.float32),
    grid=(5,),
    in_specs=[pl.BlockSpec((_N_NODES // 5, _D), lambda i: (i, 0))],
    out_specs=pl.BlockSpec((_N_NODES // 5, _D), lambda i: (i, 0)),
)


def kernel(node_feature, edge_index):
    ei = edge_index.astype(jnp.int32).reshape(2, 1, _E)
    edge_feature = _edge_diff(node_feature, ei)
    norm = _norm(node_feature)
    return (norm, edge_feature)

# --- scband reference (transcript-rebuilt; emitter-appended) ---
"""Pipeline reference for scband-prepare-layer-11819749999227 (READ-ONLY COPY).

The authoritative reference and input builder live on the scoring server;
editing this copy changes nothing except your own understanding.
"""

import jax, jax.numpy as jnp
import numpy as np

NODE_FEATS = 128
STAT_MEDIAN = 0.0
STAT_MAX = 1.0
STAT_MIN = -1.0
N_NODES = 10000
N_EDGES = 320000


def setup_inputs(seed: int = 0) -> dict:
    key = jax.random.key(seed)
    k1, k2 = jax.random.split(key)
    node_feature = jax.random.normal(k1, (N_NODES, NODE_FEATS), dtype=jnp.float32)
    edge_index = jax.random.randint(k2, (2, N_EDGES), 0, N_NODES, dtype=jnp.int64)
    return {"node_feature": node_feature, "edge_index": edge_index}


def reference(node_feature, edge_index):
    # normalize_input: (x - median) * (2 / (max - min))
    norm = (node_feature - STAT_MEDIAN) * (2.0 / (STAT_MAX - STAT_MIN))
    # DGL apply_edges(fn.u_sub_v('feat','feat','e')): edge feat = feat[src] - feat[dst]
    src = edge_index[0]
    dst = edge_index[1]
    edge_feature = jnp.take(norm, src, axis=0) - jnp.take(norm, dst, axis=0)
    return (norm, edge_feature)

if __name__ == "__main__":
    import jax
    _d = setup_inputs()
    print(jax.jit(kernel)(*tuple(_d.values())))

</pallas_src>

<mosaic_0001>
#map = affine_map<(d0, d1) -> (0, 0)>
#map1 = affine_map<(d0, d1) -> (0, 0, 0)>
module attributes {stable_mosaic.version = 14 : i64} {
  func.func @_edge_diff(%arg0: i32, %arg1: i32, %arg2: memref<10000x128xf32, #tpu.memory_space<hbm>>, %arg3: memref<2x1x320000xi32, #tpu.memory_space<hbm>>, %arg4: memref<320000x128xf32, #tpu.memory_space<hbm>>, %arg5: memref<10112xi32, #tpu.memory_space<vmem>>, %arg6: memref<10112xi32, #tpu.memory_space<vmem>>, %arg7: memref<80x128xf32, #tpu.memory_space<vmem>>, %arg8: memref<80x128xf32, #tpu.memory_space<vmem>>, %arg9: memref<80x128xf32, #tpu.memory_space<vmem>>, %arg10: memref<80x128xf32, #tpu.memory_space<vmem>>, %arg11: memref<80x128xf32, #tpu.memory_space<vmem>>, %arg12: memref<80x128xf32, #tpu.memory_space<vmem>>, %arg13: memref<80x128xf32, #tpu.memory_space<vmem>>, %arg14: memref<80x128xf32, #tpu.memory_space<vmem>>, %arg15: memref<80x128xf32, #tpu.memory_space<vmem>>, %arg16: memref<80x128xf32, #tpu.memory_space<vmem>>, %arg17: memref<!tpu.dma_semaphore, #tpu.memory_space<semaphore_mem>>, %arg18: memref<!tpu.dma_semaphore, #tpu.memory_space<semaphore_mem>>, %arg19: memref<!tpu.dma_semaphore, #tpu.memory_space<semaphore_mem>>, %arg20: memref<!tpu.dma_semaphore, #tpu.memory_space<semaphore_mem>>, %arg21: memref<!tpu.dma_semaphore, #tpu.memory_space<semaphore_mem>>, %arg22: memref<!tpu.dma_semaphore, #tpu.memory_space<semaphore_mem>>, %arg23: memref<!tpu.dma_semaphore, #tpu.memory_space<semaphore_mem>>, %arg24: memref<!tpu.dma_semaphore, #tpu.memory_space<semaphore_mem>>, %arg25: memref<!tpu.dma_semaphore, #tpu.memory_space<semaphore_mem>>, %arg26: memref<!tpu.dma_semaphore, #tpu.memory_space<semaphore_mem>>) attributes {dimension_semantics = [#tpu.dimension_semantics<core_parallel>, #tpu.dimension_semantics<subcore_parallel>], iteration_bounds = array<i64: 2, 16>, scalar_prefetch = 0 : i64, scratch_operands = 22 : i64, tpu.core_type = #tpu.core_type<sc_vector_subcore>, window_params = [{transform_indices = #map}, {transform_indices = #map1}, {transform_indices = #map}]} {
    %mul3A = arith.constant 2 : i32
    %mul3A_0 = arith.muli %arg1, %mul3A : i32
    %add3A = arith.addi %mul3A_0, %arg0 : i32
    %mul3A_1 = arith.constant 10000 : i32
    %mul3A_2 = arith.muli %add3A, %mul3A_1 : i32
    %jit3A = arith.constant 128 : i32
    %div3A = arith.divsi %mul3A_2, %jit3A : i32
    %sign3A = arith.constant 0 : i32
    %sign3A_3 = arith.cmpi sgt, %mul3A_2, %sign3A : i32
    %sign3A_4 = arith.extui %sign3A_3 : i1 to i32
    %sign3A_5 = arith.constant 0 : i32
    %sign3A_6 = arith.cmpi slt, %mul3A_2, %sign3A_5 : i32
    %sign3A_7 = arith.extui %sign3A_6 : i1 to i32
    %sign3A_8 = arith.subi %sign3A_4, %sign3A_7 : i32
    %sign3A_9 = arith.constant 0 : i32
    %sign3A_10 = arith.cmpi sgt, %jit3A, %sign3A_9 : i32
    %sign3A_11 = arith.extui %sign3A_10 : i1 to i32
    %sign3A_12 = arith.constant 0 : i32
    %sign3A_13 = arith.cmpi slt, %jit3A, %sign3A_12 : i32
    %sign3A_14 = arith.extui %sign3A_13 : i1 to i32
    %sign3A_15 = arith.subi %sign3A_11, %sign3A_14 : i32
    %ne3A = arith.cmpi ne, %sign3A_8, %sign3A_15 : i32
    %rem3A = arith.remsi %mul3A_2, %jit3A : i32
    %ne3A_16 = arith.constant 0 : i32
    %ne3A_17 = arith.cmpi ne, %rem3A, %ne3A_16 : i32
    %and3A = arith.andi %ne3A, %ne3A_17 : i1
    %sub3A = arith.constant 1 : i32
    %sub3A_18 = arith.subi %div3A, %sub3A : i32
    %select_n3A = arith.select %and3A, %sub3A_18, %div3A : i32
    %mul3A_19 = arith.constant 128 : i32
    %mul3A_20 = arith.muli %select_n3A, %mul3A_19 : i32
    %multiple_of3A = tpu.assume_multiple %mul3A_20, 128 : i32
    %sub3A_21 = arith.subi %mul3A_2, %multiple_of3A : i32
    %run_scoped3A = arith.constant 0 : i32
    %run_scoped3A_22 = arith.constant 0 : i32
    "tpu.region"() ({
      %run_scoped3A_66 = tpu.sem_alloc : memref<!tpu.dma_semaphore, #tpu.memory_space<semaphore_mem>>
      %dma_start3A_67 = tpu.memref_slice %arg3[%run_scoped3A, %run_scoped3A_22, %multiple_of3A] : memref<2x1x320000xi32, #tpu.memory_space<hbm>> -> memref<1x1x10112xi32, #tpu.memory_space<hbm>>
      %dma_start3A_68 = tpu.memref_squeeze %dma_start3A_67 : memref<1x1x10112xi32, #tpu.memory_space<hbm>> -> memref<10112xi32, #tpu.memory_space<hbm>>
      %dma_start3A_69 = tpu.memref_slice %arg3[%run_scoped3A, %run_scoped3A_22, %multiple_of3A] : memref<2x1x320000xi32, #tpu.memory_space<hbm>> -> memref<1x1x10112xi32, #tpu.memory_space<hbm>>
      %dma_start3A_70 = tpu.memref_squeeze %dma_start3A_69 : memref<1x1x10112xi32, #tpu.memory_space<hbm>> -> memref<10112xi32, #tpu.memory_space<hbm>>
      tpu.enqueue_dma source(%dma_start3A_70 : memref<10112xi32, #tpu.memory_space<hbm>>) target(%arg5 : memref<10112xi32, #tpu.memory_space<vmem>>) target_semaphore(%run_scoped3A_66 : memref<!tpu.dma_semaphore, #tpu.memory_space<semaphore_mem>>)
      %dma_wait3A_71 = tpu.memref_slice %arg3[%run_scoped3A, %run_scoped3A_22, %multiple_of3A] : memref<2x1x320000xi32, #tpu.memory_space<hbm>> -> memref<1x1x10112xi32, #tpu.memory_space<hbm>>
      %dma_wait3A_72 = tpu.memref_squeeze %dma_wait3A_71 : memref<1x1x10112xi32, #tpu.memory_space<hbm>> -> memref<10112xi32, #tpu.memory_space<hbm>>
      %dma_wait3A_73 = tpu.memref_slice %arg3[%run_scoped3A, %run_scoped3A_22, %multiple_of3A] : memref<2x1x320000xi32, #tpu.memory_space<hbm>> -> memref<1x1x10112xi32, #tpu.memory_space<hbm>>
      %dma_wait3A_74 = tpu.memref_squeeze %dma_wait3A_73 : memref<1x1x10112xi32, #tpu.memory_space<hbm>> -> memref<10112xi32, #tpu.memory_space<hbm>>
      tpu.wait_dma2 semaphore(%run_scoped3A_66 : memref<!tpu.dma_semaphore, #tpu.memory_space<semaphore_mem>>) src(%dma_wait3A_74 : memref<10112xi32, #tpu.memory_space<hbm>>) dst(%arg5 : memref<10112xi32, #tpu.memory_space<vmem>>)
      tpu.yield
    }) : () -> ()
    %run_scoped3A_23 = arith.constant 1 : i32
    %run_scoped3A_24 = arith.constant 0 : i32
    "tpu.region"() ({
      %run_scoped3A_66 = tpu.sem_alloc : memref<!tpu.dma_semaphore, #tpu.memory_space<semaphore_mem>>
      %dma_start3A_67 = tpu.memref_slice %arg3[%run_scoped3A_23, %run_scoped3A_24, %multiple_of3A] : memref<2x1x320000xi32, #tpu.memory_space<hbm>> -> memref<1x1x10112xi32, #tpu.memory_space<hbm>>
      %dma_start3A_68 = tpu.memref_squeeze %dma_start3A_67 : memref<1x1x10112xi32, #tpu.memory_space<hbm>> -> memref<10112xi32, #tpu.memory_space<hbm>>
      %dma_start3A_69 = tpu.memref_slice %arg3[%run_scoped3A_23, %run_scoped3A_24, %multiple_of3A] : memref<2x1x320000xi32, #tpu.memory_space<hbm>> -> memref<1x1x10112xi32, #tpu.memory_space<hbm>>
      %dma_start3A_70 = tpu.memref_squeeze %dma_start3A_69 : memref<1x1x10112xi32, #tpu.memory_space<hbm>> -> memref<10112xi32, #tpu.memory_space<hbm>>
      tpu.enqueue_dma source(%dma_start3A_70 : memref<10112xi32, #tpu.memory_space<hbm>>) target(%arg6 : memref<10112xi32, #tpu.memory_space<vmem>>) target_semaphore(%run_scoped3A_66 : memref<!tpu.dma_semaphore, #tpu.memory_space<semaphore_mem>>)
      %dma_wait3A_71 = tpu.memref_slice %arg3[%run_scoped3A_23, %run_scoped3A_24, %multiple_of3A] : memref<2x1x320000xi32, #tpu.memory_space<hbm>> -> memref<1x1x10112xi32, #tpu.memory_space<hbm>>
      %dma_wait3A_72 = tpu.memref_squeeze %dma_wait3A_71 : memref<1x1x10112xi32, #tpu.memory_space<hbm>> -> memref<10112xi32, #tpu.memory_space<hbm>>
      %dma_wait3A_73 = tpu.memref_slice %arg3[%run_scoped3A_23, %run_scoped3A_24, %multiple_of3A] : memref<2x1x320000xi32, #tpu.memory_space<hbm>> -> memref<1x1x10112xi32, #tpu.memory_space<hbm>>
      %dma_wait3A_74 = tpu.memref_squeeze %dma_wait3A_73 : memref<1x1x10112xi32, #tpu.memory_space<hbm>> -> memref<10112xi32, #tpu.memory_space<hbm>>
      tpu.wait_dma2 semaphore(%run_scoped3A_66 : memref<!tpu.dma_semaphore, #tpu.memory_space<semaphore_mem>>) src(%dma_wait3A_74 : memref<10112xi32, #tpu.memory_space<hbm>>) dst(%arg6 : memref<10112xi32, #tpu.memory_space<vmem>>)
      tpu.yield
    }) : () -> ()
    %add3A_25 = arith.constant 0 : i32
    %add3A_26 = arith.addi %sub3A_21, %add3A_25 : i32
    %dma_start3A = tpu.memref_slice %arg5[%add3A_26] : memref<10112xi32, #tpu.memory_space<vmem>> -> memref<80xi32, #tpu.memory_space<vmem>>
    %dma_start3A_27 = arith.constant 0 : i32
    %dma_start3A_28 = arith.constant 0 : i32
    %dma_start3A_29 = tpu.memref_slice %arg2[%dma_start3A_27, %dma_start3A_28] : memref<10000x128xf32, #tpu.memory_space<hbm>> -> memref<10000x128xf32, #tpu.memory_space<hbm>>
    tpu.enqueue_indirect_dma source(%dma_start3A_29 : memref<10000x128xf32, #tpu.memory_space<hbm>>) target(%arg7 : memref<80x128xf32, #tpu.memory_space<vmem>>) offsets(%dma_start3A : memref<80xi32, #tpu.memory_space<vmem>>) semaphore(%arg17 : memref<!tpu.dma_semaphore, #tpu.memory_space<semaphore_mem>>)
    %dma_start3A_30 = tpu.memref_slice %arg6[%add3A_26] : memref<10112xi32, #tpu.memory_space<vmem>> -> memref<80xi32, #tpu.memory_space<vmem>>
    %dma_start3A_31 = arith.constant 0 : i32
    %dma_start3A_32 = arith.constant 0 : i32
    %dma_start3A_33 = tpu.memref_slice %arg2[%dma_start3A_31, %dma_start3A_32] : memref<10000x128xf32, #tpu.memory_space<hbm>> -> memref<10000x128xf32, #tpu.memory_space<hbm>>
    tpu.enqueue_indirect_dma source(%dma_start3A_33 : memref<10000x128xf32, #tpu.memory_space<hbm>>) target(%arg8 : memref<80x128xf32, #tpu.memory_space<vmem>>) offsets(%dma_start3A_30 : memref<80xi32, #tpu.memory_space<vmem>>) semaphore(%arg17 : memref<!tpu.dma_semaphore, #tpu.memory_space<semaphore_mem>>)
    %add3A_34 = arith.constant 80 : i32
    %add3A_35 = arith.addi %sub3A_21, %add3A_34 : i32
    %dma_start3A_36 = tpu.memref_slice %arg5[%add3A_35] : memref<10112xi32, #tpu.memory_space<vmem>> -> memref<80xi32, #tpu.memory_space<vmem>>
    %dma_start3A_37 = arith.constant 0 : i32
    %dma_start3A_38 = arith.constant 0 : i32
    %dma_start3A_39 = tpu.memref_slice %arg2[%dma_start3A_37, %dma_start3A_38] : memref<10000x128xf32, #tpu.memory_space<hbm>> -> memref<10000x128xf32, #tpu.memory_space<hbm>>
    tpu.enqueue_indirect_dma source(%dma_start3A_39 : memref<10000x128xf32, #tpu.memory_space<hbm>>) target(%arg9 : memref<80x128xf32, #tpu.memory_space<vmem>>) offsets(%dma_start3A_36 : memref<80xi32, #tpu.memory_space<vmem>>) semaphore(%arg18 : memref<!tpu.dma_semaphore, #tpu.memory_space<semaphore_mem>>)
    %dma_start3A_40 = tpu.memref_slice %arg6[%add3A_35] : memref<10112xi32, #tpu.memory_space<vmem>> -> memref<80xi32, #tpu.memory_space<vmem>>
    %dma_start3A_41 = arith.constant 0 : i32
    %dma_start3A_42 = arith.constant 0 : i32
    %dma_start3A_43 = tpu.memref_slice %arg2[%dma_start3A_41, %dma_start3A_42] : memref<10000x128xf32, #tpu.memory_space<hbm>> -> memref<10000x128xf32, #tpu.memory_space<hbm>>
    tpu.enqueue_indirect_dma source(%dma_start3A_43 : memref<10000x128xf32, #tpu.memory_space<hbm>>) target(%arg10 : memref<80x128xf32, #tpu.memory_space<vmem>>) offsets(%dma_start3A_40 : memref<80xi32, #tpu.memory_space<vmem>>) semaphore(%arg18 : memref<!tpu.dma_semaphore, #tpu.memory_space<semaphore_mem>>)
    %add3A_44 = arith.constant 160 : i32
    %add3A_45 = arith.addi %sub3A_21, %add3A_44 : i32
    %dma_start3A_46 = tpu.memref_slice %arg5[%add3A_45] : memref<10112xi32, #tpu.memory_space<vmem>> -> memref<80xi32, #tpu.memory_space<vmem>>
    %dma_start3A_47 = arith.constant 0 : i32
    %dma_start3A_48 = arith.constant 0 : i32
    %dma_start3A_49 = tpu.memref_slice %arg2[%dma_start3A_47, %dma_start3A_48] : memref<10000x128xf32, #tpu.memory_space<hbm>> -> memref<10000x128xf32, #tpu.memory_space<hbm>>
    tpu.enqueue_indirect_dma source(%dma_start3A_49 : memref<10000x128xf32, #tpu.memory_space<hbm>>) target(%arg11 : memref<80x128xf32, #tpu.memory_space<vmem>>) offsets(%dma_start3A_46 : memref<80xi32, #tpu.memory_space<vmem>>) semaphore(%arg19 : memref<!tpu.dma_semaphore, #tpu.memory_space<semaphore_mem>>)
    %dma_start3A_50 = tpu.memref_slice %arg6[%add3A_45] : memref<10112xi32, #tpu.memory_space<vmem>> -> memref<80xi32, #tpu.memory_space<vmem>>
    %dma_start3A_51 = arith.constant 0 : i32
    %dma_start3A_52 = arith.constant 0 : i32
    %dma_start3A_53 = tpu.memref_slice %arg2[%dma_start3A_51, %dma_start3A_52] : memref<10000x128xf32, #tpu.memory_space<hbm>> -> memref<10000x128xf32, #tpu.memory_space<hbm>>
    tpu.enqueue_indirect_dma source(%dma_start3A_53 : memref<10000x128xf32, #tpu.memory_space<hbm>>) target(%arg12 : memref<80x128xf32, #tpu.memory_space<vmem>>) offsets(%dma_start3A_50 : memref<80xi32, #tpu.memory_space<vmem>>) semaphore(%arg19 : memref<!tpu.dma_semaphore, #tpu.memory_space<semaphore_mem>>)
    %scan3A = arith.constant 0 : i32
    %scan3A_54 = arith.constant 0 : i32
    %scan3A_55 = arith.constant 25 : i32
    %scan3A_56 = arith.addi %scan3A_54, %scan3A_55 : i32
    %scan3A_57 = arith.constant 1 : i32
    scf.for %scan3A_66 = %scan3A_54 to %scan3A_56 step %scan3A_57  : i32 {
      %mul3A_67 = arith.constant 5 : i32
      %mul3A_68 = arith.muli %mul3A_67, %scan3A_66 : i32
      %add3A_69 = arith.constant 0 : i32
      %add3A_70 = arith.addi %mul3A_68, %add3A_69 : i32
      %ge3A = arith.constant 2 : i32
      %ge3A_71 = arith.cmpi sge, %add3A_70, %ge3A : i32
      %convert_element_type3A = arith.extui %ge3A_71 : i1 to i32
      %cond3A = arith.constant 0 : i32
      %cond3A_72 = arith.cmpi ne, %convert_element_type3A, %cond3A : i32
      scf.if %cond3A_72 {
        %dma_wait3A_263 = arith.constant 0 : i32
        %dma_wait3A_264 = tpu.memref_slice %arg4[%mul3A_2, %dma_wait3A_263] : memref<320000x128xf32, #tpu.memory_space<hbm>> -> memref<80x128xf32, #tpu.memory_space<hbm>>
        %dma_wait3A_265 = arith.constant 0 : i32
        %dma_wait3A_266 = tpu.memref_slice %arg4[%mul3A_2, %dma_wait3A_265] : memref<320000x128xf32, #tpu.memory_space<hbm>> -> memref<80x128xf32, #tpu.memory_space<hbm>>
        tpu.wait_dma2 semaphore(%arg25 : memref<!tpu.dma_semaphore, #tpu.memory_space<semaphore_mem>>) src(%arg13 : memref<80x128xf32, #tpu.memory_space<vmem>>) dst(%dma_wait3A_266 : memref<80x128xf32, #tpu.memory_space<hbm>>)
      } else {
      }
      %add3A_73 = arith.constant 3 : i32
      %add3A_74 = arith.addi %add3A_70, %add3A_73 : i32
      %lt3A = arith.constant 125 : i32
      %lt3A_75 = arith.cmpi slt, %add3A_74, %lt3A : i32
      %convert_element_type3A_76 = arith.extui %lt3A_75 : i1 to i32
      %cond3A_77 = arith.constant 0 : i32
      %cond3A_78 = arith.cmpi ne, %convert_element_type3A_76, %cond3A_77 : i32
      scf.if %cond3A_78 {
        %add3A_263 = arith.constant 3 : i32
        %add3A_264 = arith.addi %add3A_70, %add3A_263 : i32
        %mul3A_265 = arith.constant 80 : i32
        %mul3A_266 = arith.muli %add3A_264, %mul3A_265 : i32
        %add3A_267 = arith.addi %sub3A_21, %mul3A_266 : i32
        %dma_start3A_268 = tpu.memref_slice %arg5[%add3A_267] : memref<10112xi32, #tpu.memory_space<vmem>> -> memref<80xi32, #tpu.memory_space<vmem>>
        %dma_start3A_269 = arith.constant 0 : i32
        %dma_start3A_270 = arith.constant 0 : i32
        %dma_start3A_271 = tpu.memref_slice %arg2[%dma_start3A_269, %dma_start3A_270] : memref<10000x128xf32, #tpu.memory_space<hbm>> -> memref<10000x128xf32, #tpu.memory_space<hbm>>
        tpu.enqueue_indirect_dma source(%dma_start3A_271 : memref<10000x128xf32, #tpu.memory_space<hbm>>) target(%arg13 : memref<80x128xf32, #tpu.memory_space<vmem>>) offsets(%dma_start3A_268 : memref<80xi32, #tpu.memory_space<vmem>>) semaphore(%arg20 : memref<!tpu.dma_semaphore, #tpu.memory_space<semaphore_mem>>)
        %dma_start3A_272 = tpu.memref_slice %arg6[%add3A_267] : memref<10112xi32, #tpu.memory_space<vmem>> -> memref<80xi32, #tpu.memory_space<vmem>>
        %dma_start3A_273 = arith.constant 0 : i32
        %dma_start3A_274 = arith.constant 0 : i32
        %dma_start3A_275 = tpu.memref_slice %arg2[%dma_start3A_273, %dma_start3A_274] : memref<10000x128xf32, #tpu.memory_space<hbm>> -> memref<10000x128xf32, #tpu.memory_space<hbm>>
        tpu.enqueue_indirect_dma source(%dma_start3A_275 : memref<10000x128xf32, #tpu.memory_space<hbm>>) target(%arg14 : memref<80x128xf32, #tpu.memory_space<vmem>>) offsets(%dma_start3A_272 : memref<80xi32, #tpu.memory_space<vmem>>) semaphore(%arg20 : memref<!tpu.dma_semaphore, #tpu.memory_space<semaphore_mem>>)
      } else {
      }
      %mul3A_79 = arith.constant 80 : i32
      %mul3A_80 = arith.muli %add3A_70, %mul3A_79 : i32
      %add3A_81 = arith.addi %sub3A_21, %mul3A_80 : i32
      %dma_wait3A_82 = tpu.memref_slice %arg5[%add3A_81] : memref<10112xi32, #tpu.memory_space<vmem>> -> memref<80xi32, #tpu.memory_space<vmem>>
      %dma_wait3A_83 = arith.constant 0 : i32
      %dma_wait3A_84 = arith.constant 0 : i32
      %dma_wait3A_85 = tpu.memref_slice %arg2[%dma_wait3A_83, %dma_wait3A_84] : memref<10000x128xf32, #tpu.memory_space<hbm>> -> memref<10000x128xf32, #tpu.memory_space<hbm>>
      tpu.wait_indirect_dma semaphore(%arg17 : memref<!tpu.dma_semaphore, #tpu.memory_space<semaphore_mem>>) src(%dma_wait3A_85 : memref<10000x128xf32, #tpu.memory_space<hbm>>) dst(%arg7 : memref<80x128xf32, #tpu.memory_space<vmem>>)
      %dma_wait3A_86 = tpu.memref_slice %arg6[%add3A_81] : memref<10112xi32, #tpu.memory_space<vmem>> -> memref<80xi32, #tpu.memory_space<vmem>>
      %dma_wait3A_87 = arith.constant 0 : i32
      %dma_wait3A_88 = arith.constant 0 : i32
      %dma_wait3A_89 = tpu.memref_slice %arg2[%dma_wait3A_87, %dma_wait3A_88] : memref<10000x128xf32, #tpu.memory_space<hbm>> -> memref<10000x128xf32, #tpu.memory_space<hbm>>
      tpu.wait_indirect_dma semaphore(%arg17 : memref<!tpu.dma_semaphore, #tpu.memory_space<semaphore_mem>>) src(%dma_wait3A_89 : memref<10000x128xf32, #tpu.memory_space<hbm>>) dst(%arg8 : memref<80x128xf32, #tpu.memory_space<vmem>>)
      %scan3A_90 = arith.constant 0 : i32
      %scan3A_91 = arith.constant 0 : i32
      %scan3A_92 = arith.constant 80 : i32
      %scan3A_93 = arith.addi %scan3A_91, %scan3A_92 : i32
      %scan3A_94 = arith.constant 1 : i32
      scf.for %scan3A_263 = %scan3A_91 to %scan3A_93 step %scan3A_94  : i32 {
        %get3A = arith.index_cast %scan3A_263 : i32 to index
        %get3A_264 = arith.constant 0 : index
        %get3A_265 = tpu.vector_load %arg7[%get3A, %get3A_264] {strides = array<i32>} : memref<80x128xf32, #tpu.memory_space<vmem>>, vector<1x16xf32>,
        %get3A_266 = vector.shape_cast %get3A_265 : vector<1x16xf32> to vector<16xf32>
        %get3A_267 = arith.index_cast %scan3A_263 : i32 to index
        %get3A_268 = arith.constant 0 : index
        %get3A_269 = tpu.vector_load %arg8[%get3A_267, %get3A_268] {strides = array<i32>} : memref<80x128xf32, #tpu.memory_space<vmem>>, vector<1x16xf32>,
        %get3A_270 = vector.shape_cast %get3A_269 : vector<1x16xf32> to vector<16xf32>
        %sub3A_271 = arith.subf %get3A_266, %get3A_270 : vector<16xf32>
        %mul3A_272 = arith.constant 1.000000e+00 : f32
        %mul3A_273 = vector.broadcast %mul3A_272 : f32 to vector<16xf32>
        %mul3A_274 = arith.mulf %sub3A_271, %mul3A_273 : vector<16xf32>
        %swap3A = arith.index_cast %scan3A_263 : i32 to index
        %swap3A_275 = arith.constant 0 : index
        %swap3A_276 = tpu.vector_load %arg7[%swap3A, %swap3A_275] {strides = array<i32>} : memref<80x128xf32, #tpu.memory_space<vmem>>, vector<1x16xf32>,
        %swap3A_277 = vector.shape_cast %swap3A_276 : vector<1x16xf32> to vector<16xf32>
        %swap3A_278 = vector.shape_cast %mul3A_274 : vector<16xf32> to vector<1x16xf32>
        tpu.vector_store %arg7[%swap3A, %swap3A_275], %swap3A_278 {strides = array<i32>} : memref<80x128xf32, #tpu.memory_space<vmem>>, vector<1x16xf32>,
        %get3A_279 = arith.index_cast %scan3A_263 : i32 to index
        %get3A_280 = arith.constant 16 : index
        %get3A_281 = tpu.vector_load %arg7[%get3A_279, %get3A_280] {strides = array<i32>} : memref<80x128xf32, #tpu.memory_space<vmem>>, vector<1x16xf32>,
        %get3A_282 = vector.shape_cast %get3A_281 : vector<1x16xf32> to vector<16xf32>
        %get3A_283 = arith.index_cast %scan3A_263 : i32 to index
        %get3A_284 = arith.constant 16 : index
        %get3A_285 = tpu.vector_load %arg8[%get3A_283, %get3A_284] {strides = array<i32>} : memref<80x128xf32, #tpu.memory_space<vmem>>, vector<1x16xf32>,
        %get3A_286 = vector.shape_cast %get3A_285 : vector<1x16xf32> to vector<16xf32>
        %sub3A_287 = arith.subf %get3A_282, %get3A_286 : vector<16xf32>
        %mul3A_288 = arith.constant 1.000000e+00 : f32
        %mul3A_289 = vector.broadcast %mul3A_288 : f32 to vector<16xf32>
        %mul3A_290 = arith.mulf %sub3A_287, %mul3A_289 : vector<16xf32>
        %swap3A_291 = arith.index_cast %scan3A_263 : i32 to index
        %swap3A_292 = arith.constant 16 : index
        %swap3A_293 = tpu.vector_load %arg7[%swap3A_291, %swap3A_292] {strides = array<i32>} : memref<80x128xf32, #tpu.memory_space<vmem>>, vector<1x16xf32>,
        %swap3A_294 = vector.shape_cast %swap3A_293 : vector<1x16xf32> to vector<16xf32>
        %swap3A_295 = vector.shape_cast %mul3A_290 : vector<16xf32> to vector<1x16xf32>
        tpu.vector_store %arg7[%swap3A_291, %swap3A_292], %swap3A_295 {strides = array<i32>} : memref<80x128xf32, #tpu.memory_space<vmem>>, vector<1x16xf32>,
        %get3A_296 = arith.index_cast %scan3A_263 : i32 to index
        %get3A_297 = arith.constant 32 : index
        %get3A_298 = tpu.vector_load %arg7[%get3A_296, %get3A_297] {strides = array<i32>} : memref<80x128xf32, #tpu.memory_space<vmem>>, vector<1x16xf32>,
        %get3A_299 = vector.shape_cast %get3A_298 : vector<1x16xf32> to vector<16xf32>
        %get3A_300 = arith.index_cast %scan3A_263 : i32 to index
        %get3A_301 = arith.constant 32 : index
        %get3A_302 = tpu.vector_load %arg8[%get3A_300, %get3A_301] {strides = array<i32>} : memref<80x128xf32, #tpu.memory_space<vmem>>, vector<1x16xf32>,
        %get3A_303 = vector.shape_cast %get3A_302 : vector<1x16xf32> to vector<16xf32>
        %sub3A_304 = arith.subf %get3A_299, %get3A_303 : vector<16xf32>
        %mul3A_305 = arith.constant 1.000000e+00 : f32
        %mul3A_306 = vector.broadcast %mul3A_305 : f32 to vector<16xf32>
        %mul3A_307 = arith.mulf %sub3A_304, %mul3A_306 : vector<16xf32>
        %swap3A_308 = arith.index_cast %scan3A_263 : i32 to index
        %swap3A_309 = arith.constant 32 : index
        %swap3A_310 = tpu.vector_load %arg7[%swap3A_308, %swap3A_309] {strides = array<i32>} : memref<80x128xf32, #tpu.memory_space<vmem>>, vector<1x16xf32>,
        %swap3A_311 = vector.shape_cast %swap3A_310 : vector<1x16xf32> to vector<16xf32>
        %swap3A_312 = vector.shape_cast %mul3A_307 : vector<16xf32> to vector<1x16xf32>
        tpu.vector_store %arg7[%swap3A_308, %swap3A_309], %swap3A_312 {strides = array<i32>} : memref<80x128xf32, #tpu.memory_space<vmem>>, vector<1x16xf32>,
        %get3A_313 = arith.index_cast %scan3A_263 : i32 to index
        %get3A_314 = arith.constant 48 : index
        %get3A_315 = tpu.vector_load %arg7[%get3A_313, %get3A_314] {strides = array<i32>} : memref<80x128xf32, #tpu.memory_space<vmem>>, vector<1x16xf32>,
        %get3A_316 = vector.shape_cast %get3A_315 : vector<1x16xf32> to vector<16xf32>
        %get3A_317 = arith.index_cast %scan3A_263 : i32 to index
        %get3A_318 = arith.constant 48 : index
        %get3A_319 = tpu.vector_load %arg8[%get3A_317, %get3A_318] {strides = array<i32>} : memref<80x128xf32, #tpu.memory_space<vmem>>, vector<1x16xf32>,
        %get3A_320 = vector.shape_cast %get3A_319 : vector<1x16xf32> to vector<16xf32>
        %sub3A_321 = arith.subf %get3A_316, %get3A_320 : vector<16xf32>
        %mul3A_322 = arith.constant 1.000000e+00 : f32
        %mul3A_323 = vector.broadcast %mul3A_322 : f32 to vector<16xf32>
        %mul3A_324 = arith.mulf %sub3A_321, %mul3A_323 : vector<16xf32>
        %swap3A_325 = arith.index_cast %scan3A_263 : i32 to index
        %swap3A_326 = arith.constant 48 : index
        %swap3A_327 = tpu.vector_load %arg7[%swap3A_325, %swap3A_326] {strides = array<i32>} : memref<80x128xf32, #tpu.memory_space<vmem>>, vector<1x16xf32>,
        %swap3A_328 = vector.shape_cast %swap3A_327 : vector<1x16xf32> to vector<16xf32>
        %swap3A_329 = vector.shape_cast %mul3A_324 : vector<16xf32> to vector<1x16xf32>
        tpu.vector_store %arg7[%swap3A_325, %swap3A_326], %swap3A_329 {strides = array<i32>} : memref<80x128xf32, #tpu.memory_space<vmem>>, vector<1x16xf32>,
        %get3A_330 = arith.index_cast %scan3A_263 : i32 to index
        %get3A_331 = arith.constant 64 : index
        %get3A_332 = tpu.vector_load %arg7[%get3A_330, %get3A_331] {strides = array<i32>} : memref<80x128xf32, #tpu.memory_space<vmem>>, vector<1x16xf32>,
        %get3A_333 = vector.shape_cast %get3A_332 : vector<1x16xf32> to vector<16xf32>
        %get3A_334 = arith.index_cast %scan3A_263 : i32 to index
        %get3A_335 = arith.constant 64 : index
        %get3A_336 = tpu.vector_load %arg8[%get3A_334, %get3A_335] {strides = array<i32>} : memref<80x128xf32, #tpu.memory_space<vmem>>, vector<1x16xf32>,
        %get3A_337 = vector.shape_cast %get3A_336 : vector<1x16xf32> to vector<16xf32>
        %sub3A_338 = arith.subf %get3A_333, %get3A_337 : vector<16xf32>
        %mul3A_339 = arith.constant 1.000000e+00 : f32
        %mul3A_340 = vector.broadcast %mul3A_339 : f32 to vector<16xf32>
        %mul3A_341 = arith.mulf %sub3A_338, %mul3A_340 : vector<16xf32>
        %swap3A_342 = arith.index_cast %scan3A_263 : i32 to index
        %swap3A_343 = arith.constant 64 : index
        %swap3A_344 = tpu.vector_load %arg7[%swap3A_342, %swap3A_343] {strides = array<i32>} : memref<80x128xf32, #tpu.memory_space<vmem>>, vector<1x16xf32>,
        %swap3A_345 = vector.shape_cast %swap3A_344 : vector<1x16xf32> to vector<16xf32>
        %swap3A_346 = vector.shape_cast %mul3A_341 : vector<16xf32> to vector<1x16xf32>
        tpu.vector_store %arg7[%swap3A_342, %swap3A_343], %swap3A_346 {strides = array<i32>} : memref<80x128xf32, #tpu.memory_space<vmem>>, vector<1x16xf32>,
        %get3A_347 = arith.index_cast %scan3A_263 : i32 to index
        %get3A_348 = arith.constant 80 : index
        %get3A_349 = tpu.vector_load %arg7[%get3A_347, %get3A_348] {strides = array<i32>} : memref<80x128xf32, #tpu.memory_space<vmem>>, vector<1x16xf32>,
        %get3A_350 = vector.shape_cast %get3A_349 : vector<1x16xf32> to vector<16xf32>
        %get3A_351 = arith.index_cast %scan3A_263 : i32 to index
        %get3A_352 = arith.constant 80 : index
        %get3A_353 = tpu.vector_load %arg8[%get3A_351, %get3A_352] {strides = array<i32>} : memref<80x128xf32, #tpu.memory_space<vmem>>, vector<1x16xf32>,
        %get3A_354 = vector.shape_cast %get3A_353 : vector<1x16xf32> to vector<16xf32>
        %sub3A_355 = arith.subf %get3A_350, %get3A_354 : vector<16xf32>
        %mul3A_356 = arith.constant 1.000000e+00 : f32
        %mul3A_357 = vector.broadcast %mul3A_356 : f32 to vector<16xf32>
        %mul3A_358 = arith.mulf %sub3A_355, %mul3A_357 : vector<16xf32>
        %swap3A_359 = arith.index_cast %scan3A_263 : i32 to index
        %swap3A_360 = arith.constant 80 : index
        %swap3A_361 = tpu.vector_load %arg7[%swap3A_359, %swap3A_360] {strides = array<i32>} : memref<80x128xf32, #tpu.memory_space<vmem>>, vector<1x16xf32>,
        %swap3A_362 = vector.shape_cast %swap3A_361 : vector<1x16xf32> to vector<16xf32>
        %swap3A_363 = vector.shape_cast %mul3A_358 : vector<16xf32> to vector<1x16xf32>
        tpu.vector_store %arg7[%swap3A_359, %swap3A_360], %swap3A_363 {strides = array<i32>} : memref<80x128xf32, #tpu.memory_space<vmem>>, vector<1x16xf32>,
        %get3A_364 = arith.index_cast %scan3A_263 : i32 to index
        %get3A_365 = arith.constant 96 : index
        %get3A_366 = tpu.vector_load %arg7[%get3A_364, %get3A_365] {strides = array<i32>} : memref<80x128xf32, #tpu.memory_space<vmem>>, vector<1x16xf32>,
        %get3A_367 = vector.shape_cast %get3A_366 : vector<1x16xf32> to vector<16xf32>
        %get3A_368 = arith.index_cast %scan3A_263 : i32 to index
        %get3A_369 = arith.constant 96 : index
        %get3A_370 = tpu.vector_load %arg8[%get3A_368, %get3A_369] {strides = array<i32>} : memref<80x128xf32, #tpu.memory_space<vmem>>, vector<1x16xf32>,
        %get3A_371 = vector.shape_cast %get3A_370 : vector<1x16xf32> to vector<16xf32>
        %sub3A_372 = arith.subf %get3A_367, %get3A_371 : vector<16xf32>
        %mul3A_373 = arith.constant 1.000000e+00 : f32
        %mul3A_374 = vector.broadcast %mul3A_373 : f32 to vector<16xf32>
        %mul3A_375 = arith.mulf %sub3A_372, %mul3A_374 : vector<16xf32>
        %swap3A_376 = arith.index_cast %scan3A_263 : i32 to index
        %swap3A_377 = arith.constant 96 : index
        %swap3A_378 = tpu.vector_load %arg7[%swap3A_376, %swap3A_377] {strides = array<i32>} : memref<80x128xf32, #tpu.memory_space<vmem>>, vector<1x16xf32>,
        %swap3A_379 = vector.shape_cast %swap3A_378 : vector<1x16xf32> to vector<16xf32>
        %swap3A_380 = vector.shape_cast %mul3A_375 : vector<16xf32> to vector<1x16xf32>
        tpu.vector_store %arg7[%swap3A_376, %swap3A_377], %swap3A_380 {strides = array<i32>} : memref<80x128xf32, #tpu.memory_space<vmem>>, vector<1x16xf32>,
        %get3A_381 = arith.index_cast %scan3A_263 : i32 to index
        %get3A_382 = arith.constant 112 : index
        %get3A_383 = tpu.vector_load %arg7[%get3A_381, %get3A_382] {strides = array<i32>} : memref<80x128xf32, #tpu.memory_space<vmem>>, vector<1x16xf32>,
        %get3A_384 = vector.shape_cast %get3A_383 : vector<1x16xf32> to vector<16xf32>
        %get3A_385 = arith.index_cast %scan3A_263 : i32 to index
        %get3A_386 = arith.constant 112 : index
        %get3A_387 = tpu.vector_load %arg8[%get3A_385, %get3A_386] {strides = array<i32>} : memref<80x128xf32, #tpu.memory_space<vmem>>, vector<1x16xf32>,
        %get3A_388 = vector.shape_cast %get3A_387 : vector<1x16xf32> to vector<16xf32>
        %sub3A_389 = arith.subf %get3A_384, %get3A_388 : vector<16xf32>
        %mul3A_390 = arith.constant 1.000000e+00 : f32
        %mul3A_391 = vector.broadcast %mul3A_390 : f32 to vector<16xf32>
        %mul3A_392 = arith.mulf %sub3A_389, %mul3A_391 : vector<16xf32>
        %swap3A_393 = arith.index_cast %scan3A_263 : i32 to index
        %swap3A_394 = arith.constant 112 : index
        %swap3A_395 = tpu.vector_load %arg7[%swap3A_393, %swap3A_394] {strides = array<i32>} : memref<80x128xf32, #tpu.memory_space<vmem>>, vector<1x16xf32>,
        %swap3A_396 = vector.shape_cast %swap3A_395 : vector<1x16xf32> to vector<16xf32>
        %swap3A_397 = vector.shape_cast %mul3A_392 : vector<16xf32> to vector<1x16xf32>
        tpu.vector_store %arg7[%swap3A_393, %swap3A_394], %swap3A_397 {strides = array<i32>} : memref<80x128xf32, #tpu.memory_space<vmem>>, vector<1x16xf32>,
      }
      %scan3A_95 = arith.constant 80 : i32
      %mul3A_96 = arith.constant 80 : i32
      %mul3A_97 = arith.muli %add3A_70, %mul3A_96 : i32
      %add3A_98 = arith.addi %mul3A_2, %mul3A_97 : i32
      %dma_start3A_99 = arith.constant 0 : i32
      %dma_start3A_100 = tpu.memref_slice %arg4[%add3A_98, %dma_start3A_99] : memref<320000x128xf32, #tpu.memory_space<hbm>> -> memref<80x128xf32, #tpu.memory_space<hbm>>
      %dma_start3A_101 = arith.constant 0 : i32
      %dma_start3A_102 = tpu.memref_slice %arg4[%add3A_98, %dma_start3A_101] : memref<320000x128xf32, #tpu.memory_space<hbm>> -> memref<80x128xf32, #tpu.memory_space<hbm>>
      tpu.enqueue_dma source(%arg7 : memref<80x128xf32, #tpu.memory_space<vmem>>) target(%dma_start3A_102 : memref<80x128xf32, #tpu.memory_space<hbm>>) target_semaphore(%arg22 : memref<!tpu.dma_semaphore, #tpu.memory_space<semaphore_mem>>)
      %mul3A_103 = arith.constant 5 : i32
      %mul3A_104 = arith.muli %mul3A_103, %scan3A_66 : i32
      %add3A_105 = arith.constant 1 : i32
      %add3A_106 = arith.addi %mul3A_104, %add3A_105 : i32
      %ge3A_107 = arith.constant 2 : i32
      %ge3A_108 = arith.cmpi sge, %add3A_106, %ge3A_107 : i32
      %convert_element_type3A_109 = arith.extui %ge3A_108 : i1 to i32
      %cond3A_110 = arith.constant 0 : i32
      %cond3A_111 = arith.cmpi ne, %convert_element_type3A_109, %cond3A_110 : i32
      scf.if %cond3A_111 {
        %dma_wait3A_263 = arith.constant 0 : i32
        %dma_wait3A_264 = tpu.memref_slice %arg4[%mul3A_2, %dma_wait3A_263] : memref<320000x128xf32, #tpu.memory_space<hbm>> -> memref<80x128xf32, #tpu.memory_space<hbm>>
        %dma_wait3A_265 = arith.constant 0 : i32
        %dma_wait3A_266 = tpu.memref_slice %arg4[%mul3A_2, %dma_wait3A_265] : memref<320000x128xf32, #tpu.memory_space<hbm>> -> memref<80x128xf32, #tpu.memory_space<hbm>>
        tpu.wait_dma2 semaphore(%arg26 : memref<!tpu.dma_semaphore, #tpu.memory_space<semaphore_mem>>) src(%arg15 : memref<80x128xf32, #tpu.memory_space<vmem>>) dst(%dma_wait3A_266 : memref<80x128xf32, #tpu.memory_space<hbm>>)
      } else {
      }
      %add3A_112 = arith.constant 3 : i32
      %add3A_113 = arith.addi %add3A_106, %add3A_112 : i32
      %lt3A_114 = arith.constant 125 : i32
      %lt3A_115 = arith.cmpi slt, %add3A_113, %lt3A_114 : i32
      %convert_element_type3A_116 = arith.extui %lt3A_115 : i1 to i32
      %cond3A_117 = arith.constant 0 : i32
      %cond3A_118 = arith.cmpi ne, %convert_element_type3A_116, %cond3A_117 : i32
      scf.if %cond3A_118 {
        %add3A_263 = arith.constant 3 : i32
        %add3A_264 = arith.addi %add3A_106, %add3A_263 : i32
        %mul3A_265 = arith.constant 80 : i32
        %mul3A_266 = arith.muli %add3A_264, %mul3A_265 : i32
        %add3A_267 = arith.addi %sub3A_21, %mul3A_266 : i32
        %dma_start3A_268 = tpu.memref_slice %arg5[%add3A_267] : memref<10112xi32, #tpu.memory_space<vmem>> -> memref<80xi32, #tpu.memory_space<vmem>>
        %dma_start3A_269 = arith.constant 0 : i32
        %dma_start3A_270 = arith.constant 0 : i32
        %dma_start3A_271 = tpu.memref_slice %arg2[%dma_start3A_269, %dma_start3A_270] : memref<10000x128xf32, #tpu.memory_space<hbm>> -> memref<10000x128xf32, #tpu.memory_space<hbm>>
        tpu.enqueue_indirect_dma source(%dma_start3A_271 : memref<10000x128xf32, #tpu.memory_space<hbm>>) target(%arg15 : memref<80x128xf32, #tpu.memory_space<vmem>>) offsets(%dma_start3A_268 : memref<80xi32, #tpu.memory_space<vmem>>) semaphore(%arg21 : memref<!tpu.dma_semaphore, #tpu.memory_space<semaphore_mem>>)
        %dma_start3A_272 = tpu.memref_slice %arg6[%add3A_267] : memref<10112xi32, #tpu.memory_space<vmem>> -> memref<80xi32, #tpu.memory_space<vmem>>
        %dma_start3A_273 = arith.constant 0 : i32
        %dma_start3A_274 = arith.constant 0 : i32
        %dma_start3A_275 = tpu.memref_slice %arg2[%dma_start3A_273, %dma_start3A_274] : memref<10000x128xf32, #tpu.memory_space<hbm>> -> memref<10000x128xf32, #tpu.memory_space<hbm>>
        tpu.enqueue_indirect_dma source(%dma_start3A_275 : memref<10000x128xf32, #tpu.memory_space<hbm>>) target(%arg16 : memref<80x128xf32, #tpu.memory_space<vmem>>) offsets(%dma_start3A_272 : memref<80xi32, #tpu.memory_space<vmem>>) semaphore(%arg21 : memref<!tpu.dma_semaphore, #tpu.memory_space<semaphore_mem>>)
      } else {
      }
      %mul3A_119 = arith.constant 80 : i32
      %mul3A_120 = arith.muli %add3A_106, %mul3A_119 : i32
      %add3A_121 = arith.addi %sub3A_21, %mul3A_120 : i32
      %dma_wait3A_122 = tpu.memref_slice %arg5[%add3A_121] : memref<10112xi32, #tpu.memory_space<vmem>> -> memref<80xi32, #tpu.memory_space<vmem>>
      %dma_wait3A_123 = arith.constant 0 : i32
      %dma_wait3A_124 = arith.constant 0 : i32
      %dma_wait3A_125 = tpu.memref_slice %arg2[%dma_wait3A_123, %dma_wait3A_124] : memref<10000x128xf32, #tpu.memory_space<hbm>> -> memref<10000x128xf32, #tpu.memory_space<hbm>>
      tpu.wait_indirect_dma semaphore(%arg18 : memref<!tpu.dma_semaphore, #tpu.memory_space<semaphore_mem>>) src(%dma_wait3A_125 : memref<10000x128xf32, #tpu.memory_space<hbm>>) dst(%arg9 : memref<80x128xf32, #tpu.memory_space<vmem>>)
      %dma_wait3A_126 = tpu.memref_slice %arg6[%add3A_121] : memref<10112xi32, #tpu.memory_space<vmem>> -> memref<80xi32, #tpu.memory_space<vmem>>
      %dma_wait3A_127 = arith.constant 0 : i32
      %dma_wait3A_128 = arith.constant 0 : i32
      %dma_wait3A_129 = tpu.memref_slice %arg2[%dma_wait3A_127, %dma_wait3A_128] : memref<10000x128xf32, #tpu.memory_space<hbm>> -> memref<10000x128xf32, #tpu.memory_space<hbm>>
      tpu.wait_indirect_dma semaphore(%arg18 : memref<!tpu.dma_semaphore, #tpu.memory_space<semaphore_mem>>) src(%dma_wait3A_129 : memref<10000x128xf32, #tpu.memory_space<hbm>>) dst(%arg10 : memref<80x128xf32, #tpu.memory_space<vmem>>)
      %scan3A_130 = arith.constant 0 : i32
      %scan3A_131 = arith.constant 0 : i32
      %scan3A_132 = arith.constant 80 : i32
      %scan3A_133 = arith.addi %scan3A_131, %scan3A_132 : i32
      %scan3A_134 = arith.constant 1 : i32
      scf.for %scan3A_263 = %scan3A_131 to %scan3A_133 step %scan3A_134  : i32 {
        %get3A = arith.index_cast %scan3A_263 : i32 to index
        %get3A_264 = arith.constant 0 : index
        %get3A_265 = tpu.vector_load %arg9[%get3A, %get3A_264] {strides = array<i32>} : memref<80x128xf32, #tpu.memory_space<vmem>>, vector<1x16xf32>,
        %get3A_266 = vector.shape_cast %get3A_265 : vector<1x16xf32> to vector<16xf32>
        %get3A_267 = arith.index_cast %scan3A_263 : i32 to index
        %get3A_268 = arith.constant 0 : index
        %get3A_269 = tpu.vector_load %arg10[%get3A_267, %get3A_268] {strides = array<i32>} : memref<80x128xf32, #tpu.memory_space<vmem>>, vector<1x16xf32>,
        %get3A_270 = vector.shape_cast %get3A_269 : vector<1x16xf32> to vector<16xf32>
        %sub3A_271 = arith.subf %get3A_266, %get3A_270 : vector<16xf32>
        %mul3A_272 = arith.constant 1.000000e+00 : f32
        %mul3A_273 = vector.broadcast %mul3A_272 : f32 to vector<16xf32>
        %mul3A_274 = arith.mulf %sub3A_271, %mul3A_273 : vector<16xf32>
        %swap3A = arith.index_cast %scan3A_263 : i32 to index
        %swap3A_275 = arith.constant 0 : index
        %swap3A_276 = tpu.vector_load %arg9[%swap3A, %swap3A_275] {strides = array<i32>} : memref<80x128xf32, #tpu.memory_space<vmem>>, vector<1x16xf32>,
        %swap3A_277 = vector.shape_cast %swap3A_276 : vector<1x16xf32> to vector<16xf32>
        %swap3A_278 = vector.shape_cast %mul3A_274 : vector<16xf32> to vector<1x16xf32>
        tpu.vector_store %arg9[%swap3A, %swap3A_275], %swap3A_278 {strides = array<i32>} : memref<80x128xf32, #tpu.memory_space<vmem>>, vector<1x16xf32>,
        %get3A_279 = arith.index_cast %scan3A_263 : i32 to index
        %get3A_280 = arith.constant 16 : index
        %get3A_281 = tpu.vector_load %arg9[%get3A_279, %get3A_280] {strides = array<i32>} : memref<80x128xf32, #tpu.memory_space<vmem>>, vector<1x16xf32>,
        %get3A_282 = vector.shape_cast %get3A_281 : vector<1x16xf32> to vector<16xf32>
        %get3A_283 = arith.index_cast %scan3A_263 : i32 to index
        %get3A_284 = arith.constant 16 : index
        %get3A_285 = tpu.vector_load %arg10[%get3A_283, %get3A_284] {strides = array<i32>} : memref<80x128xf32, #tpu.memory_space<vmem>>, vector<1x16xf32>,
        %get3A_286 = vector.shape_cast %get3A_285 : vector<1x16xf32> to vector<16xf32>
        %sub3A_287 = arith.subf %get3A_282, %get3A_286 : vector<16xf32>
        %mul3A_288 = arith.constant 1.000000e+00 : f32
        %mul3A_289 = vector.broadcast %mul3A_288 : f32 to vector<16xf32>
        %mul3A_290 = arith.mulf %sub3A_287, %mul3A_289 : vector<16xf32>
        %swap3A_291 = arith.index_cast %scan3A_263 : i32 to index
        %swap3A_292 = arith.constant 16 : index
        %swap3A_293 = tpu.vector_load %arg9[%swap3A_291, %swap3A_292] {strides = array<i32>} : memref<80x128xf32, #tpu.memory_space<vmem>>, vector<1x16xf32>,
        %swap3A_294 = vector.shape_cast %swap3A_293 : vector<1x16xf32> to vector<16xf32>
        %swap3A_295 = vector.shape_cast %mul3A_290 : vector<16xf32> to vector<1x16xf32>
        tpu.vector_store %arg9[%swap3A_291, %swap3A_292], %swap3A_295 {strides = array<i32>} : memref<80x128xf32, #tpu.memory_space<vmem>>, vector<1x16xf32>,
        %get3A_296 = arith.index_cast %scan3A_263 : i32 to index
        %get3A_297 = arith.constant 32 : index
        %get3A_298 = tpu.vector_load %arg9[%get3A_296, %get3A_297] {strides = array<i32>} : memref<80x128xf32, #tpu.memory_space<vmem>>, vector<1x16xf32>,
        %get3A_299 = vector.shape_cast %get3A_298 : vector<1x16xf32> to vector<16xf32>
        %get3A_300 = arith.index_cast %scan3A_263 : i32 to index
        %get3A_301 = arith.constant 32 : index
        %get3A_302 = tpu.vector_load %arg10[%get3A_300, %get3A_301] {strides = array<i32>} : memref<80x128xf32, #tpu.memory_space<vmem>>, vector<1x16xf32>,
        %get3A_303 = vector.shape_cast %get3A_302 : vector<1x16xf32> to vector<16xf32>
        %sub3A_304 = arith.subf %get3A_299, %get3A_303 : vector<16xf32>
        %mul3A_305 = arith.constant 1.000000e+00 : f32
        %mul3A_306 = vector.broadcast %mul3A_305 : f32 to vector<16xf32>
        %mul3A_307 = arith.mulf %sub3A_304, %mul3A_306 : vector<16xf32>
        %swap3A_308 = arith.index_cast %scan3A_263 : i32 to index
        %swap3A_309 = arith.constant 32 : index
        %swap3A_310 = tpu.vector_load %arg9[%swap3A_308, %swap3A_309] {strides = array<i32>} : memref<80x128xf32, #tpu.memory_space<vmem>>, vector<1x16xf32>,
        %swap3A_311 = vector.shape_cast %swap3A_310 : vector<1x16xf32> to vector<16xf32>
        %swap3A_312 = vector.shape_cast %mul3A_307 : vector<16xf32> to vector<1x16xf32>
        tpu.vector_store %arg9[%swap3A_308, %swap3A_309], %swap3A_312 {strides = array<i32>} : memref<80x128xf32, #tpu.memory_space<vmem>>, vector<1x16xf32>,
        %get3A_313 = arith.index_cast %scan3A_263 : i32 to index
        %get3A_314 = arith.constant 48 : index
        %get3A_315 = tpu.vector_load %arg9[%get3A_313, %get3A_314] {strides = array<i32>} : memref<80x128xf32, #tpu.memory_space<vmem>>, vector<1x16xf32>,
        %get3A_316 = vector.shape_cast %get3A_315 : vector<1x16xf32> to vector<16xf32>
        %get3A_317 = arith.index_cast %scan3A_263 : i32 to index
        %get3A_318 = arith.constant 48 : index
        %get3A_319 = tpu.vector_load %arg10[%get3A_317, %get3A_318] {strides = array<i32>} : memref<80x128xf32, #tpu.memory_space<vmem>>, vector<1x16xf32>,
        %get3A_320 = vector.shape_cast %get3A_319 : vector<1x16xf32> to vector<16xf32>
        %sub3A_321 = arith.subf %get3A_316, %get3A_320 : vector<16xf32>
        %mul3A_322 = arith.constant 1.000000e+00 : f32
        %mul3A_323 = vector.broadcast %mul3A_322 : f32 to vector<16xf32>
        %mul3A_324 = arith.mulf %sub3A_321, %mul3A_323 : vector<16xf32>
        %swap3A_325 = arith.index_cast %scan3A_263 : i32 to index
        %swap3A_326 = arith.constant 48 : index
        %swap3A_327 = tpu.vector_load %arg9[%swap3A_325, %swap3A_326] {strides = array<i32>} : memref<80x128xf32, #tpu.memory_space<vmem>>, vector<1x16xf32>,
        %swap3A_328 = vector.shape_cast %swap3A_327 : vector<1x16xf32> to vector<16xf32>
        %swap3A_329 = vector.shape_cast %mul3A_324 : vector<16xf32> to vector<1x16xf32>
        tpu.vector_store %arg9[%swap3A_325, %swap3A_326], %swap3A_329 {strides = array<i32>} : memref<80x128xf32, #tpu.memory_space<vmem>>, vector<1x16xf32>,
        %get3A_330 = arith.index_cast %scan3A_263 : i32 to index
        %get3A_331 = arith.constant 64 : index
        %get3A_332 = tpu.vector_load %arg9[%get3A_330, %get3A_331] {strides = array<i32>} : memref<80x128xf32, #tpu.memory_space<vmem>>, vector<1x16xf32>,
        %get3A_333 = vector.shape_cast %get3A_332 : vector<1x16xf32> to vector<16xf32>
        %get3A_334 = arith.index_cast %scan3A_263 : i32 to index
        %get3A_335 = arith.constant 64 : index
        %get3A_336 = tpu.vector_load %arg10[%get3A_334, %get3A_335] {strides = array<i32>} : memref<80x128xf32, #tpu.memory_space<vmem>>, vector<1x16xf32>,
        %get3A_337 = vector.shape_cast %get3A_336 : vector<1x16xf32> to vector<16xf32>
        %sub3A_338 = arith.subf %get3A_333, %get3A_337 : vector<16xf32>
        %mul3A_339 = arith.constant 1.000000e+00 : f32
        %mul3A_340 = vector.broadcast %mul3A_339 : f32 to vector<16xf32>
        %mul3A_341 = arith.mulf %sub3A_338, %mul3A_340 : vector<16xf32>
        %swap3A_342 = arith.index_cast %scan3A_263 : i32 to index
        %swap3A_343 = arith.constant 64 : index
        %swap3A_344 = tpu.vector_load %arg9[%swap3A_342, %swap3A_343] {strides = array<i32>} : memref<80x128xf32, #tpu.memory_space<vmem>>, vector<1x16xf32>,
        %swap3A_345 = vector.shape_cast %swap3A_344 : vector<1x16xf32> to vector<16xf32>
        %swap3A_346 = vector.shape_cast %mul3A_341 : vector<16xf32> to vector<1x16xf32>
        tpu.vector_store %arg9[%swap3A_342, %swap3A_343], %swap3A_346 {strides = array<i32>} : memref<80x128xf32, #tpu.memory_space<vmem>>, vector<1x16xf32>,
        %get3A_347 = arith.index_cast %scan3A_263 : i32 to index
        %get3A_348 = arith.constant 80 : index
        %get3A_349 = tpu.vector_load %arg9[%get3A_347, %get3A_348] {strides = array<i32>} : memref<80x128xf32, #tpu.memory_space<vmem>>, vector<1x16xf32>,
        %get3A_350 = vector.shape_cast %get3A_349 : vector<1x16xf32> to vector<16xf32>
        %get3A_351 = arith.index_cast %scan3A_263 : i32 to index
        %get3A_352 = arith.constant 80 : index
        %get3A_353 = tpu.vector_load %arg10[%get3A_351, %get3A_352] {strides = array<i32>} : memref<80x128xf32, #tpu.memory_space<vmem>>, vector<1x16xf32>,
        %get3A_354 = vector.shape_cast %get3A_353 : vector<1x16xf32> to vector<16xf32>
        %sub3A_355 = arith.subf %get3A_350, %get3A_354 : vector<16xf32>
        %mul3A_356 = arith.constant 1.000000e+00 : f32
        %mul3A_357 = vector.broadcast %mul3A_356 : f32 to vector<16xf32>
        %mul3A_358 = arith.mulf %sub3A_355, %mul3A_357 : vector<16xf32>
        %swap3A_359 = arith.index_cast %scan3A_263 : i32 to index
        %swap3A_360 = arith.constant 80 : index
        %swap3A_361 = tpu.vector_load %arg9[%swap3A_359, %swap3A_360] {strides = array<i32>} : memref<80x128xf32, #tpu.memory_space<vmem>>, vector<1x16xf32>,
        %swap3A_362 = vector.shape_cast %swap3A_361 : vector<1x16xf32> to vector<16xf32>
        %swap3A_363 = vector.shape_cast %mul3A_358 : vector<16xf32> to vector<1x16xf32>
        tpu.vector_store %arg9[%swap3A_359, %swap3A_360], %swap3A_363 {strides = array<i32>} : memref<80x128xf32, #tpu.memory_space<vmem>>, vector<1x16xf32>,
        %get3A_364 = arith.index_cast %scan3A_263 : i32 to index
        %get3A_365 = arith.constant 96 : index
        %get3A_366 = tpu.vector_load %arg9[%get3A_364, %get3A_365] {strides = array<i32>} : memref<80x128xf32, #tpu.memory_space<vmem>>, vector<1x16xf32>,
        %get3A_367 = vector.shape_cast %get3A_366 : vector<1x16xf32> to vector<16xf32>
        %get3A_368 = arith.index_cast %scan3A_263 : i32 to index
        %get3A_369 = arith.constant 96 : index
        %get3A_370 = tpu.vector_load %arg10[%get3A_368, %get3A_369] {strides = array<i32>} : memref<80x128xf32, #tpu.memory_space<vmem>>, vector<1x16xf32>,
        %get3A_371 = vector.shape_cast %get3A_370 : vector<1x16xf32> to vector<16xf32>
        %sub3A_372 = arith.subf %get3A_367, %get3A_371 : vector<16xf32>
        %mul3A_373 = arith.constant 1.000000e+00 : f32
        %mul3A_374 = vector.broadcast %mul3A_373 : f32 to vector<16xf32>
        %mul3A_375 = arith.mulf %sub3A_372, %mul3A_374 : vector<16xf32>
        %swap3A_376 = arith.index_cast %scan3A_263 : i32 to index
        %swap3A_377 = arith.constant 96 : index
        %swap3A_378 = tpu.vector_load %arg9[%swap3A_376, %swap3A_377] {strides = array<i32>} : memref<80x128xf32, #tpu.memory_space<vmem>>, vector<1x16xf32>,
        %swap3A_379 = vector.shape_cast %swap3A_378 : vector<1x16xf32> to vector<16xf32>
        %swap3A_380 = vector.shape_cast %mul3A_375 : vector<16xf32> to vector<1x16xf32>
        tpu.vector_store %arg9[%swap3A_376, %swap3A_377], %swap3A_380 {strides = array<i32>} : memref<80x128xf32, #tpu.memory_space<vmem>>, vector<1x16xf32>,
        %get3A_381 = arith.index_cast %scan3A_263 : i32 to index
        %get3A_382 = arith.constant 112 : index
        %get3A_383 = tpu.vector_load %arg9[%get3A_381, %get3A_382] {strides = array<i32>} : memref<80x128xf32, #tpu.memory_space<vmem>>, vector<1x16xf32>,
        %get3A_384 = vector.shape_cast %get3A_383 : vector<1x16xf32> to vector<16xf32>
        %get3A_385 = arith.index_cast %scan3A_263 : i32 to index
        %get3A_386 = arith.constant 112 : index
        %get3A_387 = tpu.vector_load %arg10[%get3A_385, %get3A_386] {strides = array<i32>} : memref<80x128xf32, #tpu.memory_space<vmem>>, vector<1x16xf32>,
        %get3A_388 = vector.shape_cast %get3A_387 : vector<1x16xf32> to vector<16xf32>
        %sub3A_389 = arith.subf %get3A_384, %get3A_388 : vector<16xf32>
        %mul3A_390 = arith.constant 1.000000e+00 : f32
        %mul3A_391 = vector.broadcast %mul3A_390 : f32 to vector<16xf32>
        %mul3A_392 = arith.mulf %sub3A_389, %mul3A_391 : vector<16xf32>
        %swap3A_393 = arith.index_cast %scan3A_263 : i32 to index
        %swap3A_394 = arith.constant 112 : index
        %swap3A_395 = tpu.vector_load %arg9[%swap3A_393, %swap3A_394] {strides = array<i32>} : memref<80x128xf32, #tpu.memory_space<vmem>>, vector<1x16xf32>,
        %swap3A_396 = vector.shape_cast %swap3A_395 : vector<1x16xf32> to vector<16xf32>
        %swap3A_397 = vector.shape_cast %mul3A_392 : vector<16xf32> to vector<1x16xf32>
        tpu.vector_store %arg9[%swap3A_393, %swap3A_394], %swap3A_397 {strides = array<i32>} : memref<80x128xf32, #tpu.memory_space<vmem>>, vector<1x16xf32>,
      }
      %scan3A_135 = arith.constant 80 : i32
      %mul3A_136 = arith.constant 80 : i32
      %mul3A_137 = arith.muli %add3A_106, %mul3A_136 : i32
      %add3A_138 = arith.addi %mul3A_2, %mul3A_137 : i32
      %dma_start3A_139 = arith.constant 0 : i32
      %dma_start3A_140 = tpu.memref_slice %arg4[%add3A_138, %dma_start3A_139] : memref<320000x128xf32, #tpu.memory_space<hbm>> -> memref<80x128xf32, #tpu.memory_space<hbm>>
      %dma_start3A_141 = arith.constant 0 : i32
      %dma_start3A_142 = tpu.memref_slice %arg4[%add3A_138, %dma_start3A_141] : memref<320000x128xf32, #tpu.memory_space<hbm>> -> memref<80x128xf32, #tpu.memory_space<hbm>>
      tpu.enqueue_dma source(%arg9 : memref<80x128xf32, #tpu.memory_space<vmem>>) target(%dma_start3A_142 : memref<80x128xf32, #tpu.memory_space<hbm>>) target_semaphore(%arg23 : memref<!tpu.dma_semaphore, #tpu.memory_space<semaphore_mem>>)
      %mul3A_143 = arith.constant 5 : i32
      %mul3A_144 = arith.muli %mul3A_143, %scan3A_66 : i32
      %add3A_145 = arith.constant 2 : i32
      %add3A_146 = arith.addi %mul3A_144, %add3A_145 : i32
      %ge3A_147 = arith.constant 2 : i32
      %ge3A_148 = arith.cmpi sge, %add3A_146, %ge3A_147 : i32
      %convert_element_type3A_149 = arith.extui %ge3A_148 : i1 to i32
      %cond3A_150 = arith.constant 0 : i32
      %cond3A_151 = arith.cmpi ne, %convert_element_type3A_149, %cond3A_150 : i32
      scf.if %cond3A_151 {
        %dma_wait3A_263 = arith.constant 0 : i32
        %dma_wait3A_264 = tpu.memref_slice %arg4[%mul3A_2, %dma_wait3A_263] : memref<320000x128xf32, #tpu.memory_space<hbm>> -> memref<80x128xf32, #tpu.memory_space<hbm>>
        %dma_wait3A_265 = arith.constant 0 : i32
        %dma_wait3A_266 = tpu.memref_slice %arg4[%mul3A_2, %dma_wait3A_265] : memref<320000x128xf32, #tpu.memory_space<hbm>> -> memref<80x128xf32, #tpu.memory_space<hbm>>
        tpu.wait_dma2 semaphore(%arg22 : memref<!tpu.dma_semaphore, #tpu.memory_space<semaphore_mem>>) src(%arg7 : memref<80x128xf32, #tpu.memory_space<vmem>>) dst(%dma_wait3A_266 : memref<80x128xf32, #tpu.memory_space<hbm>>)
      } else {
      }
      %add3A_152 = arith.constant 3 : i32
      %add3A_153 = arith.addi %add3A_146, %add3A_152 : i32
      %lt3A_154 = arith.constant 125 : i32
      %lt3A_155 = arith.cmpi slt, %add3A_153, %lt3A_154 : i32
      %convert_element_type3A_156 = arith.extui %lt3A_155 : i1 to i32
      %cond3A_157 = arith.constant 0 : i32
      %cond3A_158 = arith.cmpi ne, %convert_element_type3A_156, %cond3A_157 : i32
      scf.if %cond3A_158 {
        %add3A_263 = arith.constant 3 : i32
        %add3A_264 = arith.addi %add3A_146, %add3A_263 : i32
        %mul3A_265 = arith.constant 80 : i32
        %mul3A_266 = arith.muli %add3A_264, %mul3A_265 : i32
        %add3A_267 = arith.addi %sub3A_21, %mul3A_266 : i32
        %dma_start3A_268 = tpu.memref_slice %arg5[%add3A_267] : memref<10112xi32, #tpu.memory_space<vmem>> -> memref<80xi32, #tpu.memory_space<vmem>>
        %dma_start3A_269 = arith.constant 0 : i32
        %dma_start3A_270 = arith.constant 0 : i32
        %dma_start3A_271 = tpu.memref_slice %arg2[%dma_start3A_269, %dma_start3A_270] : memref<10000x128xf32, #tpu.memory_space<hbm>> -> memref<10000x128xf32, #tpu.memory_space<hbm>>
        tpu.enqueue_indirect_dma source(%dma_start3A_271 : memref<10000x128xf32, #tpu.memory_space<hbm>>) target(%arg7 : memref<80x128xf32, #tpu.memory_space<vmem>>) offsets(%dma_start3A_268 : memref<80xi32, #tpu.memory_space<vmem>>) semaphore(%arg17 : memref<!tpu.dma_semaphore, #tpu.memory_space<semaphore_mem>>)
        %dma_start3A_272 = tpu.memref_slice %arg6[%add3A_267] : memref<10112xi32, #tpu.memory_space<vmem>> -> memref<80xi32, #tpu.memory_space<vmem>>
        %dma_start3A_273 = arith.constant 0 : i32
        %dma_start3A_274 = arith.constant 0 : i32
        %dma_start3A_275 = tpu.memref_slice %arg2[%dma_start3A_273, %dma_start3A_274] : memref<10000x128xf32, #tpu.memory_space<hbm>> -> memref<10000x128xf32, #tpu.memory_space<hbm>>
        tpu.enqueue_indirect_dma source(%dma_start3A_275 : memref<10000x128xf32, #tpu.memory_space<hbm>>) target(%arg8 : memref<80x128xf32, #tpu.memory_space<vmem>>) offsets(%dma_start3A_272 : memref<80xi32, #tpu.memory_space<vmem>>) semaphore(%arg17 : memref<!tpu.dma_semaphore, #tpu.memory_space<semaphore_mem>>)
      } else {
      }
      %mul3A_159 = arith.constant 80 : i32
      %mul3A_160 = arith.muli %add3A_146, %mul3A_159 : i32
      %add3A_161 = arith.addi %sub3A_21, %mul3A_160 : i32
      %dma_wait3A_162 = tpu.memref_slice %arg5[%add3A_161] : memref<10112xi32, #tpu.memory_space<vmem>> -> memref<80xi32, #tpu.memory_space<vmem>>
      %dma_wait3A_163 = arith.constant 0 : i32
      %dma_wait3A_164 = arith.constant 0 : i32
      %dma_wait3A_165 = tpu.memref_slice %arg2[%dma_wait3A_163, %dma_wait3A_164] : memref<10000x128xf32, #tpu.memory_space<hbm>> -> memref<10000x128xf32, #tpu.memory_space<hbm>>
      tpu.wait_indirect_dma semaphore(%arg19 : memref<!tpu.dma_semaphore, #tpu.memory_space<semaphore_mem>>) src(%dma_wait3A_165 : memref<10000x128xf32, #tpu.memory_space<hbm>>) dst(%arg11 : memref<80x128xf32, #tpu.memory_space<vmem>>)
      %dma_wait3A_166 = tpu.memref_slice %arg6[%add3A_161] : memref<10112xi32, #tpu.memory_space<vmem>> -> memref<80xi32, #tpu.memory_space<vmem>>
      %dma_wait3A_167 = arith.constant 0 : i32
      %dma_wait3A_168 = arith.constant 0 : i32
      %dma_wait3A_169 = tpu.memref_slice %arg2[%dma_wait3A_167, %dma_wait3A_168] : memref<10000x128xf32, #tpu.memory_space<hbm>> -> memref<10000x128xf32, #tpu.memory_space<hbm>>
      tpu.wait_indirect_dma semaphore(%arg19 : memref<!tpu.dma_semaphore, #tpu.memory_space<semaphore_mem>>) src(%dma_wait3A_169 : memref<10000x128xf32, #tpu.memory_space<hbm>>) dst(%arg12 : memref<80x128xf32, #tpu.memory_space<vmem>>)
      %scan3A_170 = arith.constant 0 : i32
      %scan3A_171 = arith.constant 0 : i32
      %scan3A_172 = arith.constant 80 : i32
      %scan3A_173 = arith.addi %scan3A_171, %scan3A_172 : i32
      %scan3A_174 = arith.constant 1 : i32
      scf.for %scan3A_263 = %scan3A_171 to %scan3A_173 step %scan3A_174  : i32 {
        %get3A = arith.index_cast %scan3A_263 : i32 to index
        %get3A_264 = arith.constant 0 : index
        %get3A_265 = tpu.vector_load %arg11[%get3A, %get3A_264] {strides = array<i32>} : memref<80x128xf32, #tpu.memory_space<vmem>>, vector<1x16xf32>,
        %get3A_266 = vector.shape_cast %get3A_265 : vector<1x16xf32> to vector<16xf32>
        %get3A_267 = arith.index_cast %scan3A_263 : i32 to index
        %get3A_268 = arith.constant 0 : index
        %get3A_269 = tpu.vector_load %arg12[%get3A_267, %get3A_268] {strides = array<i32>} : memref<80x128xf32, #tpu.memory_space<vmem>>, vector<1x16xf32>,
        %get3A_270 = vector.shape_cast %get3A_269 : vector<1x16xf32> to vector<16xf32>
        %sub3A_271 = arith.subf %get3A_266, %get3A_270 : vector<16xf32>
        %mul3A_272 = arith.constant 1.000000e+00 : f32
        %mul3A_273 = vector.broadcast %mul3A_272 : f32 to vector<16xf32>
        %mul3A_274 = arith.mulf %sub3A_271, %mul3A_273 : vector<16xf32>
        %swap3A = arith.index_cast %scan3A_263 : i32 to index
        %swap3A_275 = arith.constant 0 : index
        %swap3A_276 = tpu.vector_load %arg11[%swap3A, %swap3A_275] {strides = array<i32>} : memref<80x128xf32, #tpu.memory_space<vmem>>, vector<1x16xf32>,
        %swap3A_277 = vector.shape_cast %swap3A_276 : vector<1x16xf32> to vector<16xf32>
        %swap3A_278 = vector.shape_cast %mul3A_274 : vector<16xf32> to vector<1x16xf32>
        tpu.vector_store %arg11[%swap3A, %swap3A_275], %swap3A_278 {strides = array<i32>} : memref<80x128xf32, #tpu.memory_space<vmem>>, vector<1x16xf32>,
        %get3A_279 = arith.index_cast %scan3A_263 : i32 to index
        %get3A_280 = arith.constant 16 : index
        %get3A_281 = tpu.vector_load %arg11[%get3A_279, %get3A_280] {strides = array<i32>} : memref<80x128xf32, #tpu.memory_space<vmem>>, vector<1x16xf32>,
        %get3A_282 = vector.shape_cast %get3A_281 : vector<1x16xf32> to vector<16xf32>
        %get3A_283 = arith.index_cast %scan3A_263 : i32 to index
        %get3A_284 = arith.constant 16 : index
        %get3A_285 = tpu.vector_load %arg12[%get3A_283, %get3A_284] {strides = array<i32>} : memref<80x128xf32, #tpu.memory_space<vmem>>, vector<1x16xf32>,
        %get3A_286 = vector.shape_cast %get3A_285 : vector<1x16xf32> to vector<16xf32>
        %sub3A_287 = arith.subf %get3A_282, %get3A_286 : vector<16xf32>
        %mul3A_288 = arith.constant 1.000000e+00 : f32
        %mul3A_289 = vector.broadcast %mul3A_288 : f32 to vector<16xf32>
        %mul3A_290 = arith.mulf %sub3A_287, %mul3A_289 : vector<16xf32>
        %swap3A_291 = arith.index_cast %scan3A_263 : i32 to index
        %swap3A_292 = arith.constant 16 : index
        %swap3A_293 = tpu.vector_load %arg11[%swap3A_291, %swap3A_292] {strides = array<i32>} : memref<80x128xf32, #tpu.memory_space<vmem>>, vector<1x16xf32>,
        %swap3A_294 = vector.shape_cast %swap3A_293 : vector<1x16xf32> to vector<16xf32>
        %swap3A_295 = vector.shape_cast %mul3A_290 : vector<16xf32> to vector<1x16xf32>
        tpu.vector_store %arg11[%swap3A_291, %swap3A_292], %swap3A_295 {strides = array<i32>} : memref<80x128xf32, #tpu.memory_space<vmem>>, vector<1x16xf32>,
        %get3A_296 = arith.index_cast %scan3A_263 : i32 to index
        %get3A_297 = arith.constant 32 : index
        %get3A_298 = tpu.vector_load %arg11[%get3A_296, %get3A_297] {strides = array<i32>} : memref<80x128xf32, #tpu.memory_space<vmem>>, vector<1x16xf32>,
        %get3A_299 = vector.shape_cast %get3A_298 : vector<1x16xf32> to vector<16xf32>
        %get3A_300 = arith.index_cast %scan3A_263 : i32 to index
        %get3A_301 = arith.constant 32 : index
        %get3A_302 = tpu.vector_load %arg12[%get3A_300, %get3A_301] {strides = array<i32>} : memref<80x128xf32, #tpu.memory_space<vmem>>, vector<1x16xf32>,
        %get3A_303 = vector.shape_cast %get3A_302 : vector<1x16xf32> to vector<16xf32>
        %sub3A_304 = arith.subf %get3A_299, %get3A_303 : vector<16xf32>
        %mul3A_305 = arith.constant 1.000000e+00 : f32
        %mul3A_306 = vector.broadcast %mul3A_305 : f32 to vector<16xf32>
        %mul3A_307 = arith.mulf %sub3A_304, %mul3A_306 : vector<16xf32>
        %swap3A_308 = arith.index_cast %scan3A_263 : i32 to index
        %swap3A_309 = arith.constant 32 : index
        %swap3A_310 = tpu.vector_load %arg11[%swap3A_308, %swap3A_309] {strides = array<i32>} : memref<80x128xf32, #tpu.memory_space<vmem>>, vector<1x16xf32>,
        %swap3A_311 = vector.shape_cast %swap3A_310 : vector<1x16xf32> to vector<16xf32>
        %swap3A_312 = vector.shape_cast %mul3A_307 : vector<16xf32> to vector<1x16xf32>
        tpu.vector_store %arg11[%swap3A_308, %swap3A_309], %swap3A_312 {strides = array<i32>} : memref<80x128xf32, #tpu.memory_space<vmem>>, vector<1x16xf32>,
        %get3A_313 = arith.index_cast %scan3A_263 : i32 to index
        %get3A_314 = arith.constant 48 : index
        %get3A_315 = tpu.vector_load %arg11[%get3A_313, %get3A_314] {strides = array<i32>} : memref<80x128xf32, #tpu.memory_space<vmem>>, vector<1x16xf32>,
        %get3A_316 = vector.shape_cast %get3A_315 : vector<1x16xf32> to vector<16xf32>
        %get3A_317 = arith.index_cast %scan3A_263 : i32 to index
        %get3A_318 = arith.constant 48 : index
        %get3A_319 = tpu.vector_load %arg12[%get3A_317, %get3A_318] {strides = array<i32>} : memref<80x128xf32, #tpu.memory_space<vmem>>, vector<1x16xf32>,
        %get3A_320 = vector.shape_cast %get3A_319 : vector<1x16xf32> to vector<16xf32>
        %sub3A_321 = arith.subf %get3A_316, %get3A_320 : vector<16xf32>
        %mul3A_322 = arith.constant 1.000000e+00 : f32
        %mul3A_323 = vector.broadcast %mul3A_322 : f32 to vector<16xf32>
        %mul3A_324 = arith.mulf %sub3A_321, %mul3A_323 : vector<16xf32>
        %swap3A_325 = arith.index_cast %scan3A_263 : i32 to index
        %swap3A_326 = arith.constant 48 : index
        %swap3A_327 = tpu.vector_load %arg11[%swap3A_325, %swap3A_326] {strides = array<i32>} : memref<80x128xf32, #tpu.memory_space<vmem>>, vector<1x16xf32>,
        %swap3A_328 = vector.shape_cast %swap3A_327 : vector<1x16xf32> to vector<16xf32>
        %swap3A_329 = vector.shape_cast %mul3A_324 : vector<16xf32> to vector<1x16xf32>
        tpu.vector_store %arg11[%swap3A_325, %swap3A_326], %swap3A_329 {strides = array<i32>} : memref<80x128xf32, #tpu.memory_space<vmem>>, vector<1x16xf32>,
        %get3A_330 = arith.index_cast %scan3A_263 : i32 to index
        %get3A_331 = arith.constant 64 : index
        %get3A_332 = tpu.vector_load %arg11[%get3A_330, %get3A_331] {strides = array<i32>} : memref<80x128xf32, #tpu.memory_space<vmem>>, vector<1x16xf32>,
        %get3A_333 = vector.shape_cast %get3A_332 : vector<1x16xf32> to vector<16xf32>
        %get3A_334 = arith.index_cast %scan3A_263 : i32 to index
        %get3A_335 = arith.constant 64 : index
        %get3A_336 = tpu.vector_load %arg12[%get3A_334, %get3A_335] {strides = array<i32>} : memref<80x128xf32, #tpu.memory_space<vmem>>, vector<1x16xf32>,
        %get3A_337 = vector.shape_cast %get3A_336 : vector<1x16xf32> to vector<16xf32>
        %sub3A_338 = arith.subf %get3A_333, %get3A_337 : vector<16xf32>
        %mul3A_339 = arith.constant 1.000000e+00 : f32
        %mul3A_340 = vector.broadcast %mul3A_339 : f32 to vector<16xf32>
        %mul3A_341 = arith.mulf %sub3A_338, %mul3A_340 : vector<16xf32>
        %swap3A_342 = arith.index_cast %scan3A_263 : i32 to index
        %swap3A_343 = arith.constant 64 : index
        %swap3A_344 = tpu.vector_load %arg11[%swap3A_342, %swap3A_343] {strides = array<i32>} : memref<80x128xf32, #tpu.memory_space<vmem>>, vector<1x16xf32>,
        %swap3A_345 = vector.shape_cast %swap3A_344 : vector<1x16xf32> to vector<16xf32>
        %swap3A_346 = vector.shape_cast %mul3A_341 : vector<16xf32> to vector<1x16xf32>
        tpu.vector_store %arg11[%swap3A_342, %swap3A_343], %swap3A_346 {strides = array<i32>} : memref<80x128xf32, #tpu.memory_space<vmem>>, vector<1x16xf32>,
        %get3A_347 = arith.index_cast %scan3A_263 : i32 to index
        %get3A_348 = arith.constant 80 : index
        %get3A_349 = tpu.vector_load %arg11[%get3A_347, %get3A_348] {strides = array<i32>} : memref<80x128xf32, #tpu.memory_space<vmem>>, vector<1x16xf32>,
        %get3A_350 = vector.shape_cast %get3A_349 : vector<1x16xf32> to vector<16xf32>
        %get3A_351 = arith.index_cast %scan3A_263 : i32 to index
        %get3A_352 = arith.constant 80 : index
        %get3A_353 = tpu.vector_load %arg12[%get3A_351, %get3A_352] {strides = array<i32>} : memref<80x128xf32, #tpu.memory_space<vmem>>, vector<1x16xf32>,
        %get3A_354 = vector.shape_cast %get3A_353 : vector<1x16xf32> to vector<16xf32>
        %sub3A_355 = arith.subf %get3A_350, %get3A_354 : vector<16xf32>
        %mul3A_356 = arith.constant 1.000000e+00 : f32
        %mul3A_357 = vector.broadcast %mul3A_356 : f32 to vector<16xf32>
        %mul3A_358 = arith.mulf %sub3A_355, %mul3A_357 : vector<16xf32>
        %swap3A_359 = arith.index_cast %scan3A_263 : i32 to index
        %swap3A_360 = arith.constant 80 : index
        %swap3A_361 = tpu.vector_load %arg11[%swap3A_359, %swap3A_360] {strides = array<i32>} : memref<80x128xf32, #tpu.memory_space<vmem>>, vector<1x16xf32>,
        %swap3A_362 = vector.shape_cast %swap3A_361 : vector<1x16xf32> to vector<16xf32>
        %swap3A_363 = vector.shape_cast %mul3A_358 : vector<16xf32> to vector<1x16xf32>
        tpu.vector_store %arg11[%swap3A_359, %swap3A_360], %swap3A_363 {strides = array<i32>} : memref<80x128xf32, #tpu.memory_space<vmem>>, vector<1x16xf32>,
        %get3A_364 = arith.index_cast %scan3A_263 : i32 to index
        %get3A_365 = arith.constant 96 : index
        %get3A_366 = tpu.vector_load %arg11[%get3A_364, %get3A_365] {strides = array<i32>} : memref<80x128xf32, #tpu.memory_space<vmem>>, vector<1x16xf32>,
        %get3A_367 = vector.shape_cast %get3A_366 : vector<1x16xf32> to vector<16xf32>
        %get3A_368 = arith.index_cast %scan3A_263 : i32 to index
        %get3A_369 = arith.constant 96 : index
        %get3A_370 = tpu.vector_load %arg12[%get3A_368, %get3A_369] {strides = array<i32>} : memref<80x128xf32, #tpu.memory_space<vmem>>, vector<1x16xf32>,
        %get3A_371 = vector.shape_cast %get3A_370 : vector<1x16xf32> to vector<16xf32>
        %sub3A_372 = arith.subf %get3A_367, %get3A_371 : vector<16xf32>
        %mul3A_373 = arith.constant 1.000000e+00 : f32
        %mul3A_374 = vector.broadcast %mul3A_373 : f32 to vector<16xf32>
        %mul3A_375 = arith.mulf %sub3A_372, %mul3A_374 : vector<16xf32>
        %swap3A_376 = arith.index_cast %scan3A_263 : i32 to index
        %swap3A_377 = arith.constant 96 : index
        %swap3A_378 = tpu.vector_load %arg11[%swap3A_376, %swap3A_377] {strides = array<i32>} : memref<80x128xf32, #tpu.memory_space<vmem>>, vector<1x16xf32>,
        %swap3A_379 = vector.shape_cast %swap3A_378 : vector<1x16xf32> to vector<16xf32>
        %swap3A_380 = vector.shape_cast %mul3A_375 : vector<16xf32> to vector<1x16xf32>
        tpu.vector_store %arg11[%swap3A_376, %swap3A_377], %swap3A_380 {strides = array<i32>} : memref<80x128xf32, #tpu.memory_space<vmem>>, vector<1x16xf32>,
        %get3A_381 = arith.index_cast %scan3A_263 : i32 to index
        %get3A_382 = arith.constant 112 : index
        %get3A_383 = tpu.vector_load %arg11[%get3A_381, %get3A_382] {strides = array<i32>} : memref<80x128xf32, #tpu.memory_space<vmem>>, vector<1x16xf32>,
        %get3A_384 = vector.shape_cast %get3A_383 : vector<1x16xf32> to vector<16xf32>
        %get3A_385 = arith.index_cast %scan3A_263 : i32 to index
        %get3A_386 = arith.constant 112 : index
        %get3A_387 = tpu.vector_load %arg12[%get3A_385, %get3A_386] {strides = array<i32>} : memref<80x128xf32, #tpu.memory_space<vmem>>, vector<1x16xf32>,
        %get3A_388 = vector.shape_cast %get3A_387 : vector<1x16xf32> to vector<16xf32>
        %sub3A_389 = arith.subf %get3A_384, %get3A_388 : vector<16xf32>
        %mul3A_390 = arith.constant 1.000000e+00 : f32
        %mul3A_391 = vector.broadcast %mul3A_390 : f32 to vector<16xf32>
        %mul3A_392 = arith.mulf %sub3A_389, %mul3A_391 : vector<16xf32>
        %swap3A_393 = arith.index_cast %scan3A_263 : i32 to index
        %swap3A_394 = arith.constant 112 : index
        %swap3A_395 = tpu.vector_load %arg11[%swap3A_393, %swap3A_394] {strides = array<i32>} : memref<80x128xf32, #tpu.memory_space<vmem>>, vector<1x16xf32>,
        %swap3A_396 = vector.shape_cast %swap3A_395 : vector<1x16xf32> to vector<16xf32>
        %swap3A_397 = vector.shape_cast %mul3A_392 : vector<16xf32> to vector<1x16xf32>
        tpu.vector_store %arg11[%swap3A_393, %swap3A_394], %swap3A_397 {strides = array<i32>} : memref<80x128xf32, #tpu.memory_space<vmem>>, vector<1x16xf32>,
      }
      %scan3A_175 = arith.constant 80 : i32
      %mul3A_176 = arith.constant 80 : i32
      %mul3A_177 = arith.muli %add3A_146, %mul3A_176 : i32
      %add3A_178 = arith.addi %mul3A_2, %mul3A_177 : i32
      %dma_start3A_179 = arith.constant 0 : i32
      %dma_start3A_180 = tpu.memref_slice %arg4[%add3A_178, %dma_start3A_179] : memref<320000x128xf32, #tpu.memory_space<hbm>> -> memref<80x128xf32, #tpu.memory_space<hbm>>
      %dma_start3A_181 = arith.constant 0 : i32
      %dma_start3A_182 = tpu.memref_slice %arg4[%add3A_178, %dma_start3A_181] : memref<320000x128xf32, #tpu.memory_space<hbm>> -> memref<80x128xf32, #tpu.memory_space<hbm>>
      tpu.enqueue_dma source(%arg11 : memref<80x128xf32, #tpu.memory_space<vmem>>) target(%dma_start3A_182 : memref<80x128xf32, #tpu.memory_space<hbm>>) target_semaphore(%arg24 : memref<!tpu.dma_semaphore, #tpu.memory_space<semaphore_mem>>)
      %mul3A_183 = arith.constant 5 : i32
      %mul3A_184 = arith.muli %mul3A_183, %scan3A_66 : i32
      %add3A_185 = arith.constant 3 : i32
      %add3A_186 = arith.addi %mul3A_184, %add3A_185 : i32
      %ge3A_187 = arith.constant 2 : i32
      %ge3A_188 = arith.cmpi sge, %add3A_186, %ge3A_187 : i32
      %convert_element_type3A_189 = arith.extui %ge3A_188 : i1 to i32
      %cond3A_190 = arith.constant 0 : i32
      %cond3A_191 = arith.cmpi ne, %convert_element_type3A_189, %cond3A_190 : i32
      scf.if %cond3A_191 {
        %dma_wait3A_263 = arith.constant 0 : i32
        %dma_wait3A_264 = tpu.memref_slice %arg4[%mul3A_2, %dma_wait3A_263] : memref<320000x128xf32, #tpu.memory_space<hbm>> -> memref<80x128xf32, #tpu.memory_space<hbm>>
        %dma_wait3A_265 = arith.constant 0 : i32
        %dma_wait3A_266 = tpu.memref_slice %arg4[%mul3A_2, %dma_wait3A_265] : memref<320000x128xf32, #tpu.memory_space<hbm>> -> memref<80x128xf32, #tpu.memory_space<hbm>>
        tpu.wait_dma2 semaphore(%arg23 : memref<!tpu.dma_semaphore, #tpu.memory_space<semaphore_mem>>) src(%arg9 : memref<80x128xf32, #tpu.memory_space<vmem>>) dst(%dma_wait3A_266 : memref<80x128xf32, #tpu.memory_space<hbm>>)
      } else {
      }
      %add3A_192 = arith.constant 3 : i32
      %add3A_193 = arith.addi %add3A_186, %add3A_192 : i32
      %lt3A_194 = arith.constant 125 : i32
      %lt3A_195 = arith.cmpi slt, %add3A_193, %lt3A_194 : i32
      %convert_element_type3A_196 = arith.extui %lt3A_195 : i1 to i32
      %cond3A_197 = arith.constant 0 : i32
      %cond3A_198 = arith.cmpi ne, %convert_element_type3A_196, %cond3A_197 : i32
      scf.if %cond3A_198 {
        %add3A_263 = arith.constant 3 : i32
        %add3A_264 = arith.addi %add3A_186, %add3A_263 : i32
        %mul3A_265 = arith.constant 80 : i32
        %mul3A_266 = arith.muli %add3A_264, %mul3A_265 : i32
        %add3A_267 = arith.addi %sub3A_21, %mul3A_266 : i32
        %dma_start3A_268 = tpu.memref_slice %arg5[%add3A_267] : memref<10112xi32, #tpu.memory_space<vmem>> -> memref<80xi32, #tpu.memory_space<vmem>>
        %dma_start3A_269 = arith.constant 0 : i32
        %dma_start3A_270 = arith.constant 0 : i32
        %dma_start3A_271 = tpu.memref_slice %arg2[%dma_start3A_269, %dma_start3A_270] : memref<10000x128xf32, #tpu.memory_space<hbm>> -> memref<10000x128xf32, #tpu.memory_space<hbm>>
        tpu.enqueue_indirect_dma source(%dma_start3A_271 : memref<10000x128xf32, #tpu.memory_space<hbm>>) target(%arg9 : memref<80x128xf32, #tpu.memory_space<vmem>>) offsets(%dma_start3A_268 : memref<80xi32, #tpu.memory_space<vmem>>) semaphore(%arg18 : memref<!tpu.dma_semaphore, #tpu.memory_space<semaphore_mem>>)
        %dma_start3A_272 = tpu.memref_slice %arg6[%add3A_267] : memref<10112xi32, #tpu.memory_space<vmem>> -> memref<80xi32, #tpu.memory_space<vmem>>
        %dma_start3A_273 = arith.constant 0 : i32
        %dma_start3A_274 = arith.constant 0 : i32
        %dma_start3A_275 = tpu.memref_slice %arg2[%dma_start3A_273, %dma_start3A_274] : memref<10000x128xf32, #tpu.memory_space<hbm>> -> memref<10000x128xf32, #tpu.memory_space<hbm>>
        tpu.enqueue_indirect_dma source(%dma_start3A_275 : memref<10000x128xf32, #tpu.memory_space<hbm>>) target(%arg10 : memref<80x128xf32, #tpu.memory_space<vmem>>) offsets(%dma_start3A_272 : memref<80xi32, #tpu.memory_space<vmem>>) semaphore(%arg18 : memref<!tpu.dma_semaphore, #tpu.memory_space<semaphore_mem>>)
      } else {
      }
      %mul3A_199 = arith.constant 80 : i32
      %mul3A_200 = arith.muli %add3A_186, %mul3A_199 : i32
      %add3A_201 = arith.addi %sub3A_21, %mul3A_200 : i32
      %dma_wait3A_202 = tpu.memref_slice %arg5[%add3A_201] : memref<10112xi32, #tpu.memory_space<vmem>> -> memref<80xi32, #tpu.memory_space<vmem>>
      %dma_wait3A_203 = arith.constant 0 : i32
      %dma_wait3A_204 = arith.constant 0 : i32
      %dma_wait3A_205 = tpu.memref_slice %arg2[%dma_wait3A_203, %dma_wait3A_204] : memref<10000x128xf32, #tpu.memory_space<hbm>> -> memref<10000x128xf32, #tpu.memory_space<hbm>>
      tpu.wait_indirect_dma semaphore(%arg20 : memref<!tpu.dma_semaphore, #tpu.memory_space<semaphore_mem>>) src(%dma_wait3A_205 : memref<10000x128xf32, #tpu.memory_space<hbm>>) dst(%arg13 : memref<80x128xf32, #tpu.memory_space<vmem>>)
      %dma_wait3A_206 = tpu.memref_slice %arg6[%add3A_201] : memref<10112xi32, #tpu.memory_space<vmem>> -> memref<80xi32, #tpu.memory_space<vmem>>
      %dma_wait3A_207 = arith.constant 0 : i32
      %dma_wait3A_208 = arith.constant 0 : i32
      %dma_wait3A_209 = tpu.memref_slice %arg2[%dma_wait3A_207, %dma_wait3A_208] : memref<10000x128xf32, #tpu.memory_space<hbm>> -> memref<10000x128xf32, #tpu.memory_space<hbm>>
      tpu.wait_indirect_dma semaphore(%arg20 : memref<!tpu.dma_semaphore, #tpu.memory_space<semaphore_mem>>) src(%dma_wait3A_209 : memref<10000x128xf32, #tpu.memory_space<hbm>>) dst(%arg14 : memref<80x128xf32, #tpu.memory_space<vmem>>)
      %scan3A_210 = arith.constant 0 : i32
      %scan3A_211 = arith.constant 0 : i32
      %scan3A_212 = arith.constant 80 : i32
      %scan3A_213 = arith.addi %scan3A_211, %scan3A_212 : i32
      %scan3A_214 = arith.constant 1 : i32
      scf.for %scan3A_263 = %scan3A_211 to %scan3A_213 step %scan3A_214  : i32 {
        %get3A = arith.index_cast %scan3A_263 : i32 to index
        %get3A_264 = arith.constant 0 : index
        %get3A_265 = tpu.vector_load %arg13[%get3A, %get3A_264] {strides = array<i32>} : memref<80x128xf32, #tpu.memory_space<vmem>>, vector<1x16xf32>,
        %get3A_266 = vector.shape_cast %get3A_265 : vector<1x16xf32> to vector<16xf32>
        %get3A_267 = arith.index_cast %scan3A_263 : i32 to index
        %get3A_268 = arith.constant 0 : index
        %get3A_269 = tpu.vector_load %arg14[%get3A_267, %get3A_268] {strides = array<i32>} : memref<80x128xf32, #tpu.memory_space<vmem>>, vector<1x16xf32>,
        %get3A_270 = vector.shape_cast %get3A_269 : vector<1x16xf32> to vector<16xf32>
        %sub3A_271 = arith.subf %get3A_266, %get3A_270 : vector<16xf32>
        %mul3A_272 = arith.constant 1.000000e+00 : f32
        %mul3A_273 = vector.broadcast %mul3A_272 : f32 to vector<16xf32>
        %mul3A_274 = arith.mulf %sub3A_271, %mul3A_273 : vector<16xf32>
        %swap3A = arith.index_cast %scan3A_263 : i32 to index
        %swap3A_275 = arith.constant 0 : index
        %swap3A_276 = tpu.vector_load %arg13[%swap3A, %swap3A_275] {strides = array<i32>} : memref<80x128xf32, #tpu.memory_space<vmem>>, vector<1x16xf32>,
        %swap3A_277 = vector.shape_cast %swap3A_276 : vector<1x16xf32> to vector<16xf32>
        %swap3A_278 = vector.shape_cast %mul3A_274 : vector<16xf32> to vector<1x16xf32>
        tpu.vector_store %arg13[%swap3A, %swap3A_275], %swap3A_278 {strides = array<i32>} : memref<80x128xf32, #tpu.memory_space<vmem>>, vector<1x16xf32>,
        %get3A_279 = arith.index_cast %scan3A_263 : i32 to index
        %get3A_280 = arith.constant 16 : index
        %get3A_281 = tpu.vector_load %arg13[%get3A_279, %get3A_280] {strides = array<i32>} : memref<80x128xf32, #tpu.memory_space<vmem>>, vector<1x16xf32>,
        %get3A_282 = vector.shape_cast %get3A_281 : vector<1x16xf32> to vector<16xf32>
        %get3A_283 = arith.index_cast %scan3A_263 : i32 to index
        %get3A_284 = arith.constant 16 : index
        %get3A_285 = tpu.vector_load %arg14[%get3A_283, %get3A_284] {strides = array<i32>} : memref<80x128xf32, #tpu.memory_space<vmem>>, vector<1x16xf32>,
        %get3A_286 = vector.shape_cast %get3A_285 : vector<1x16xf32> to vector<16xf32>
        %sub3A_287 = arith.subf %get3A_282, %get3A_286 : vector<16xf32>
        %mul3A_288 = arith.constant 1.000000e+00 : f32
        %mul3A_289 = vector.broadcast %mul3A_288 : f32 to vector<16xf32>
        %mul3A_290 = arith.mulf %sub3A_287, %mul3A_289 : vector<16xf32>
        %swap3A_291 = arith.index_cast %scan3A_263 : i32 to index
        %swap3A_292 = arith.constant 16 : index
        %swap3A_293 = tpu.vector_load %arg13[%swap3A_291, %swap3A_292] {strides = array<i32>} : memref<80x128xf32, #tpu.memory_space<vmem>>, vector<1x16xf32>,
        %swap3A_294 = vector.shape_cast %swap3A_293 : vector<1x16xf32> to vector<16xf32>
        %swap3A_295 = vector.shape_cast %mul3A_290 : vector<16xf32> to vector<1x16xf32>
        tpu.vector_store %arg13[%swap3A_291, %swap3A_292], %swap3A_295 {strides = array<i32>} : memref<80x128xf32, #tpu.memory_space<vmem>>, vector<1x16xf32>,
        %get3A_296 = arith.index_cast %scan3A_263 : i32 to index
        %get3A_297 = arith.constant 32 : index
        %get3A_298 = tpu.vector_load %arg13[%get3A_296, %get3A_297] {strides = array<i32>} : memref<80x128xf32, #tpu.memory_space<vmem>>, vector<1x16xf32>,
        %get3A_299 = vector.shape_cast %get3A_298 : vector<1x16xf32> to vector<16xf32>
        %get3A_300 = arith.index_cast %scan3A_263 : i32 to index
        %get3A_301 = arith.constant 32 : index
        %get3A_302 = tpu.vector_load %arg14[%get3A_300, %get3A_301] {strides = array<i32>} : memref<80x128xf32, #tpu.memory_space<vmem>>, vector<1x16xf32>,
        %get3A_303 = vector.shape_cast %get3A_302 : vector<1x16xf32> to vector<16xf32>
        %sub3A_304 = arith.subf %get3A_299, %get3A_303 : vector<16xf32>
        %mul3A_305 = arith.constant 1.000000e+00 : f32
        %mul3A_306 = vector.broadcast %mul3A_305 : f32 to vector<16xf32>
        %mul3A_307 = arith.mulf %sub3A_304, %mul3A_306 : vector<16xf32>
        %swap3A_308 = arith.index_cast %scan3A_263 : i32 to index
        %swap3A_309 = arith.constant 32 : index
        %swap3A_310 = tpu.vector_load %arg13[%swap3A_308, %swap3A_309] {strides = array<i32>} : memref<80x128xf32, #tpu.memory_space<vmem>>, vector<1x16xf32>,
        %swap3A_311 = vector.shape_cast %swap3A_310 : vector<1x16xf32> to vector<16xf32>
        %swap3A_312 = vector.shape_cast %mul3A_307 : vector<16xf32> to vector<1x16xf32>
        tpu.vector_store %arg13[%swap3A_308, %swap3A_309], %swap3A_312 {strides = array<i32>} : memref<80x128xf32, #tpu.memory_space<vmem>>, vector<1x16xf32>,
        %get3A_313 = arith.index_cast %scan3A_263 : i32 to index
        %get3A_314 = arith.constant 48 : index
        %get3A_315 = tpu.vector_load %arg13[%get3A_313, %get3A_314] {strides = array<i32>} : memref<80x128xf32, #tpu.memory_space<vmem>>, vector<1x16xf32>,
        %get3A_316 = vector.shape_cast %get3A_315 : vector<1x16xf32> to vector<16xf32>
        %get3A_317 = arith.index_cast %scan3A_263 : i32 to index
        %get3A_318 = arith.constant 48 : index
        %get3A_319 = tpu.vector_load %arg14[%get3A_317, %get3A_318] {strides = array<i32>} : memref<80x128xf32, #tpu.memory_space<vmem>>, vector<1x16xf32>,
        %get3A_320 = vector.shape_cast %get3A_319 : vector<1x16xf32> to vector<16xf32>
        %sub3A_321 = arith.subf %get3A_316, %get3A_320 : vector<16xf32>
        %mul3A_322 = arith.constant 1.000000e+00 : f32
        %mul3A_323 = vector.broadcast %mul3A_322 : f32 to vector<16xf32>
        %mul3A_324 = arith.mulf %sub3A_321, %mul3A_323 : vector<16xf32>
        %swap3A_325 = arith.index_cast %scan3A_263 : i32 to index
        %swap3A_326 = arith.constant 48 : index
        %swap3A_327 = tpu.vector_load %arg13[%swap3A_325, %swap3A_326] {strides = array<i32>} : memref<80x128xf32, #tpu.memory_space<vmem>>, vector<1x16xf32>,
        %swap3A_328 = vector.shape_cast %swap3A_327 : vector<1x16xf32> to vector<16xf32>
        %swap3A_329 = vector.shape_cast %mul3A_324 : vector<16xf32> to vector<1x16xf32>
        tpu.vector_store %arg13[%swap3A_325, %swap3A_326], %swap3A_329 {strides = array<i32>} : memref<80x128xf32, #tpu.memory_space<vmem>>, vector<1x16xf32>,
        %get3A_330 = arith.index_cast %scan3A_263 : i32 to index
        %get3A_331 = arith.constant 64 : index
        %get3A_332 = tpu.vector_load %arg13[%get3A_330, %get3A_331] {strides = array<i32>} : memref<80x128xf32, #tpu.memory_space<vmem>>, vector<1x16xf32>,
        %get3A_333 = vector.shape_cast %get3A_332 : vector<1x16xf32> to vector<16xf32>
        %get3A_334 = arith.index_cast %scan3A_263 : i32 to index
        %get3A_335 = arith.constant 64 : index
        %get3A_336 = tpu.vector_load %arg14[%get3A_334, %get3A_335] {strides = array<i32>} : memref<80x128xf32, #tpu.memory_space<vmem>>, vector<1x16xf32>,
        %get3A_337 = vector.shape_cast %get3A_336 : vector<1x16xf32> to vector<16xf32>
        %sub3A_338 = arith.subf %get3A_333, %get3A_337 : vector<16xf32>
        %mul3A_339 = arith.constant 1.000000e+00 : f32
        %mul3A_340 = vector.broadcast %mul3A_339 : f32 to vector<16xf32>
        %mul3A_341 = arith.mulf %sub3A_338, %mul3A_340 : vector<16xf32>
        %swap3A_342 = arith.index_cast %scan3A_263 : i32 to index
        %swap3A_343 = arith.constant 64 : index
        %swap3A_344 = tpu.vector_load %arg13[%swap3A_342, %swap3A_343] {strides = array<i32>} : memref<80x128xf32, #tpu.memory_space<vmem>>, vector<1x16xf32>,
        %swap3A_345 = vector.shape_cast %swap3A_344 : vector<1x16xf32> to vector<16xf32>
        %swap3A_346 = vector.shape_cast %mul3A_341 : vector<16xf32> to vector<1x16xf32>
        tpu.vector_store %arg13[%swap3A_342, %swap3A_343], %swap3A_346 {strides = array<i32>} : memref<80x128xf32, #tpu.memory_space<vmem>>, vector<1x16xf32>,
        %get3A_347 = arith.index_cast %scan3A_263 : i32 to index
        %get3A_348 = arith.constant 80 : index
        %get3A_349 = tpu.vector_load %arg13[%get3A_347, %get3A_348] {strides = array<i32>} : memref<80x128xf32, #tpu.memory_space<vmem>>, vector<1x16xf32>,
        %get3A_350 = vector.shape_cast %get3A_349 : vector<1x16xf32> to vector<16xf32>
        %get3A_351 = arith.index_cast %scan3A_263 : i32 to index
        %get3A_352 = arith.constant 80 : index
        %get3A_353 = tpu.vector_load %arg14[%get3A_351, %get3A_352] {strides = array<i32>} : memref<80x128xf32, #tpu.memory_space<vmem>>, vector<1x16xf32>,
        %get3A_354 = vector.shape_cast %get3A_353 : vector<1x16xf32> to vector<16xf32>
        %sub3A_355 = arith.subf %get3A_350, %get3A_354 : vector<16xf32>
        %mul3A_356 = arith.constant 1.000000e+00 : f32
        %mul3A_357 = vector.broadcast %mul3A_356 : f32 to vector<16xf32>
        %mul3A_358 = arith.mulf %sub3A_355, %mul3A_357 : vector<16xf32>
        %swap3A_359 = arith.index_cast %scan3A_263 : i32 to index
        %swap3A_360 = arith.constant 80 : index
        %swap3A_361 = tpu.vector_load %arg13[%swap3A_359, %swap3A_360] {strides = array<i32>} : memref<80x128xf32, #tpu.memory_space<vmem>>, vector<1x16xf32>,
        %swap3A_362 = vector.shape_cast %swap3A_361 : vector<1x16xf32> to vector<16xf32>
        %swap3A_363 = vector.shape_cast %mul3A_358 : vector<16xf32> to vector<1x16xf32>
        tpu.vector_store %arg13[%swap3A_359, %swap3A_360], %swap3A_363 {strides = array<i32>} : memref<80x128xf32, #tpu.memory_space<vmem>>, vector<1x16xf32>,
        %get3A_364 = arith.index_cast %scan3A_263 : i32 to index
        %get3A_365 = arith.constant 96 : index
        %get3A_366 = tpu.vector_load %arg13[%get3A_364, %get3A_365] {strides = array<i32>} : memref<80x128xf32, #tpu.memory_space<vmem>>, vector<1x16xf32>,
        %get3A_367 = vector.shape_cast %get3A_366 : vector<1x16xf32> to vector<16xf32>
        %get3A_368 = arith.index_cast %scan3A_263 : i32 to index
        %get3A_369 = arith.constant 96 : index
        %get3A_370 = tpu.vector_load %arg14[%get3A_368, %get3A_369] {strides = array<i32>} : memref<80x128xf32, #tpu.memory_space<vmem>>, vector<1x16xf32>,
        %get3A_371 = vector.shape_cast %get3A_370 : vector<1x16xf32> to vector<16xf32>
        %sub3A_372 = arith.subf %get3A_367, %get3A_371 : vector<16xf32>
        %mul3A_373 = arith.constant 1.000000e+00 : f32
        %mul3A_374 = vector.broadcast %mul3A_373 : f32 to vector<16xf32>
        %mul3A_375 = arith.mulf %sub3A_372, %mul3A_374 : vector<16xf32>
        %swap3A_376 = arith.index_cast %scan3A_263 : i32 to index
        %swap3A_377 = arith.constant 96 : index
        %swap3A_378 = tpu.vector_load %arg13[%swap3A_376, %swap3A_377] {strides = array<i32>} : memref<80x128xf32, #tpu.memory_space<vmem>>, vector<1x16xf32>,
        %swap3A_379 = vector.shape_cast %swap3A_378 : vector<1x16xf32> to vector<16xf32>
        %swap3A_380 = vector.shape_cast %mul3A_375 : vector<16xf32> to vector<1x16xf32>
        tpu.vector_store %arg13[%swap3A_376, %swap3A_377], %swap3A_380 {strides = array<i32>} : memref<80x128xf32, #tpu.memory_space<vmem>>, vector<1x16xf32>,
        %get3A_381 = arith.index_cast %scan3A_263 : i32 to index
        %get3A_382 = arith.constant 112 : index
        %get3A_383 = tpu.vector_load %arg13[%get3A_381, %get3A_382] {strides = array<i32>} : memref<80x128xf32, #tpu.memory_space<vmem>>, vector<1x16xf32>,
        %get3A_384 = vector.shape_cast %get3A_383 : vector<1x16xf32> to vector<16xf32>
        %get3A_385 = arith.index_cast %scan3A_263 : i32 to index
        %get3A_386 = arith.constant 112 : index
        %get3A_387 = tpu.vector_load %arg14[%get3A_385, %get3A_386] {strides = array<i32>} : memref<80x128xf32, #tpu.memory_space<vmem>>, vector<1x16xf32>,
        %get3A_388 = vector.shape_cast %get3A_387 : vector<1x16xf32> to vector<16xf32>
        %sub3A_389 = arith.subf %get3A_384, %get3A_388 : vector<16xf32>
        %mul3A_390 = arith.constant 1.000000e+00 : f32
        %mul3A_391 = vector.broadcast %mul3A_390 : f32 to vector<16xf32>
        %mul3A_392 = arith.mulf %sub3A_389, %mul3A_391 : vector<16xf32>
        %swap3A_393 = arith.index_cast %scan3A_263 : i32 to index
        %swap3A_394 = arith.constant 112 : index
        %swap3A_395 = tpu.vector_load %arg13[%swap3A_393, %swap3A_394] {strides = array<i32>} : memref<80x128xf32, #tpu.memory_space<vmem>>, vector<1x16xf32>,
        %swap3A_396 = vector.shape_cast %swap3A_395 : vector<1x16xf32> to vector<16xf32>
        %swap3A_397 = vector.shape_cast %mul3A_392 : vector<16xf32> to vector<1x16xf32>
        tpu.vector_store %arg13[%swap3A_393, %swap3A_394], %swap3A_397 {strides = array<i32>} : memref<80x128xf32, #tpu.memory_space<vmem>>, vector<1x16xf32>,
      }
      %scan3A_215 = arith.constant 80 : i32
      %mul3A_216 = arith.constant 80 : i32
      %mul3A_217 = arith.muli %add3A_186, %mul3A_216 : i32
      %add3A_218 = arith.addi %mul3A_2, %mul3A_217 : i32
      %dma_start3A_219 = arith.constant 0 : i32
      %dma_start3A_220 = tpu.memref_slice %arg4[%add3A_218, %dma_start3A_219] : memref<320000x128xf32, #tpu.memory_space<hbm>> -> memref<80x128xf32, #tpu.memory_space<hbm>>
      %dma_start3A_221 = arith.constant 0 : i32
      %dma_start3A_222 = tpu.memref_slice %arg4[%add3A_218, %dma_start3A_221] : memref<320000x128xf32, #tpu.memory_space<hbm>> -> memref<80x128xf32, #tpu.memory_space<hbm>>
      tpu.enqueue_dma source(%arg13 : memref<80x128xf32, #tpu.memory_space<vmem>>) target(%dma_start3A_222 : memref<80x128xf32, #tpu.memory_space<hbm>>) target_semaphore(%arg25 : memref<!tpu.dma_semaphore, #tpu.memory_space<semaphore_mem>>)
      %mul3A_223 = arith.constant 5 : i32
      %mul3A_224 = arith.muli %mul3A_223, %scan3A_66 : i32
      %add3A_225 = arith.constant 4 : i32
      %add3A_226 = arith.addi %mul3A_224, %add3A_225 : i32
      %ge3A_227 = arith.constant 2 : i32
      %ge3A_228 = arith.cmpi sge, %add3A_226, %ge3A_227 : i32
      %convert_element_type3A_229 = arith.extui %ge3A_228 : i1 to i32
      %cond3A_230 = arith.constant 0 : i32
      %cond3A_231 = arith.cmpi ne, %convert_element_type3A_229, %cond3A_230 : i32
      scf.if %cond3A_231 {
        %dma_wait3A_263 = arith.constant 0 : i32
        %dma_wait3A_264 = tpu.memref_slice %arg4[%mul3A_2, %dma_wait3A_263] : memref<320000x128xf32, #tpu.memory_space<hbm>> -> memref<80x128xf32, #tpu.memory_space<hbm>>
        %dma_wait3A_265 = arith.constant 0 : i32
        %dma_wait3A_266 = tpu.memref_slice %arg4[%mul3A_2, %dma_wait3A_265] : memref<320000x128xf32, #tpu.memory_space<hbm>> -> memref<80x128xf32, #tpu.memory_space<hbm>>
        tpu.wait_dma2 semaphore(%arg24 : memref<!tpu.dma_semaphore, #tpu.memory_space<semaphore_mem>>) src(%arg11 : memref<80x128xf32, #tpu.memory_space<vmem>>) dst(%dma_wait3A_266 : memref<80x128xf32, #tpu.memory_space<hbm>>)
      } else {
      }
      %add3A_232 = arith.constant 3 : i32
      %add3A_233 = arith.addi %add3A_226, %add3A_232 : i32
      %lt3A_234 = arith.constant 125 : i32
      %lt3A_235 = arith.cmpi slt, %add3A_233, %lt3A_234 : i32
      %convert_element_type3A_236 = arith.extui %lt3A_235 : i1 to i32
      %cond3A_237 = arith.constant 0 : i32
      %cond3A_238 = arith.cmpi ne, %convert_element_type3A_236, %cond3A_237 : i32
      scf.if %cond3A_238 {
        %add3A_263 = arith.constant 3 : i32
        %add3A_264 = arith.addi %add3A_226, %add3A_263 : i32
        %mul3A_265 = arith.constant 80 : i32
        %mul3A_266 = arith.muli %add3A_264, %mul3A_265 : i32
        %add3A_267 = arith.addi %sub3A_21, %mul3A_266 : i32
        %dma_start3A_268 = tpu.memref_slice %arg5[%add3A_267] : memref<10112xi32, #tpu.memory_space<vmem>> -> memref<80xi32, #tpu.memory_space<vmem>>
        %dma_start3A_269 = arith.constant 0 : i32
        %dma_start3A_270 = arith.constant 0 : i32
        %dma_start3A_271 = tpu.memref_slice %arg2[%dma_start3A_269, %dma_start3A_270] : memref<10000x128xf32, #tpu.memory_space<hbm>> -> memref<10000x128xf32, #tpu.memory_space<hbm>>
        tpu.enqueue_indirect_dma source(%dma_start3A_271 : memref<10000x128xf32, #tpu.memory_space<hbm>>) target(%arg11 : memref<80x128xf32, #tpu.memory_space<vmem>>) offsets(%dma_start3A_268 : memref<80xi32, #tpu.memory_space<vmem>>) semaphore(%arg19 : memref<!tpu.dma_semaphore, #tpu.memory_space<semaphore_mem>>)
        %dma_start3A_272 = tpu.memref_slice %arg6[%add3A_267] : memref<10112xi32, #tpu.memory_space<vmem>> -> memref<80xi32, #tpu.memory_space<vmem>>
        %dma_start3A_273 = arith.constant 0 : i32
        %dma_start3A_274 = arith.constant 0 : i32
        %dma_start3A_275 = tpu.memref_slice %arg2[%dma_start3A_273, %dma_start3A_274] : memref<10000x128xf32, #tpu.memory_space<hbm>> -> memref<10000x128xf32, #tpu.memory_space<hbm>>
        tpu.enqueue_indirect_dma source(%dma_start3A_275 : memref<10000x128xf32, #tpu.memory_space<hbm>>) target(%arg12 : memref<80x128xf32, #tpu.memory_space<vmem>>) offsets(%dma_start3A_272 : memref<80xi32, #tpu.memory_space<vmem>>) semaphore(%arg19 : memref<!tpu.dma_semaphore, #tpu.memory_space<semaphore_mem>>)
      } else {
      }
      %mul3A_239 = arith.constant 80 : i32
      %mul3A_240 = arith.muli %add3A_226, %mul3A_239 : i32
      %add3A_241 = arith.addi %sub3A_21, %mul3A_240 : i32
      %dma_wait3A_242 = tpu.memref_slice %arg5[%add3A_241] : memref<10112xi32, #tpu.memory_space<vmem>> -> memref<80xi32, #tpu.memory_space<vmem>>
      %dma_wait3A_243 = arith.constant 0 : i32
      %dma_wait3A_244 = arith.constant 0 : i32
      %dma_wait3A_245 = tpu.memref_slice %arg2[%dma_wait3A_243, %dma_wait3A_244] : memref<10000x128xf32, #tpu.memory_space<hbm>> -> memref<10000x128xf32, #tpu.memory_space<hbm>>
      tpu.wait_indirect_dma semaphore(%arg21 : memref<!tpu.dma_semaphore, #tpu.memory_space<semaphore_mem>>) src(%dma_wait3A_245 : memref<10000x128xf32, #tpu.memory_space<hbm>>) dst(%arg15 : memref<80x128xf32, #tpu.memory_space<vmem>>)
      %dma_wait3A_246 = tpu.memref_slice %arg6[%add3A_241] : memref<10112xi32, #tpu.memory_space<vmem>> -> memref<80xi32, #tpu.memory_space<vmem>>
      %dma_wait3A_247 = arith.constant 0 : i32
      %dma_wait3A_248 = arith.constant 0 : i32
      %dma_wait3A_249 = tpu.memref_slice %arg2[%dma_wait3A_247, %dma_wait3A_248] : memref<10000x128xf32, #tpu.memory_space<hbm>> -> memref<10000x128xf32, #tpu.memory_space<hbm>>
      tpu.wait_indirect_dma semaphore(%arg21 : memref<!tpu.dma_semaphore, #tpu.memory_space<semaphore_mem>>) src(%dma_wait3A_249 : memref<10000x128xf32, #tpu.memory_space<hbm>>) dst(%arg16 : memref<80x128xf32, #tpu.memory_space<vmem>>)
      %scan3A_250 = arith.constant 0 : i32
      %scan3A_251 = arith.constant 0 : i32
      %scan3A_252 = arith.constant 80 : i32
      %scan3A_253 = arith.addi %scan3A_251, %scan3A_252 : i32
      %scan3A_254 = arith.constant 1 : i32
      scf.for %scan3A_263 = %scan3A_251 to %scan3A_253 step %scan3A_254  : i32 {
        %get3A = arith.index_cast %scan3A_263 : i32 to index
        %get3A_264 = arith.constant 0 : index
        %get3A_265 = tpu.vector_load %arg15[%get3A, %get3A_264] {strides = array<i32>} : memref<80x128xf32, #tpu.memory_space<vmem>>, vector<1x16xf32>,
        %get3A_266 = vector.shape_cast %get3A_265 : vector<1x16xf32> to vector<16xf32>
        %get3A_267 = arith.index_cast %scan3A_263 : i32 to index
        %get3A_268 = arith.constant 0 : index
        %get3A_269 = tpu.vector_load %arg16[%get3A_267, %get3A_268] {strides = array<i32>} : memref<80x128xf32, #tpu.memory_space<vmem>>, vector<1x16xf32>,
        %get3A_270 = vector.shape_cast %get3A_269 : vector<1x16xf32> to vector<16xf32>
        %sub3A_271 = arith.subf %get3A_266, %get3A_270 : vector<16xf32>
        %mul3A_272 = arith.constant 1.000000e+00 : f32
        %mul3A_273 = vector.broadcast %mul3A_272 : f32 to vector<16xf32>
        %mul3A_274 = arith.mulf %sub3A_271, %mul3A_273 : vector<16xf32>
        %swap3A = arith.index_cast %scan3A_263 : i32 to index
        %swap3A_275 = arith.constant 0 : index
        %swap3A_276 = tpu.vector_load %arg15[%swap3A, %swap3A_275] {strides = array<i32>} : memref<80x128xf32, #tpu.memory_space<vmem>>, vector<1x16xf32>,
        %swap3A_277 = vector.shape_cast %swap3A_276 : vector<1x16xf32> to vector<16xf32>
        %swap3A_278 = vector.shape_cast %mul3A_274 : vector<16xf32> to vector<1x16xf32>
        tpu.vector_store %arg15[%swap3A, %swap3A_275], %swap3A_278 {strides = array<i32>} : memref<80x128xf32, #tpu.memory_space<vmem>>, vector<1x16xf32>,
        %get3A_279 = arith.index_cast %scan3A_263 : i32 to index
        %get3A_280 = arith.constant 16 : index
        %get3A_281 = tpu.vector_load %arg15[%get3A_279, %get3A_280] {strides = array<i32>} : memref<80x128xf32, #tpu.memory_space<vmem>>, vector<1x16xf32>,
        %get3A_282 = vector.shape_cast %get3A_281 : vector<1x16xf32> to vector<16xf32>
        %get3A_283 = arith.index_cast %scan3A_263 : i32 to index
        %get3A_284 = arith.constant 16 : index
        %get3A_285 = tpu.vector_load %arg16[%get3A_283, %get3A_284] {strides = array<i32>} : memref<80x128xf32, #tpu.memory_space<vmem>>, vector<1x16xf32>,
        %get3A_286 = vector.shape_cast %get3A_285 : vector<1x16xf32> to vector<16xf32>
        %sub3A_287 = arith.subf %get3A_282, %get3A_286 : vector<16xf32>
        %mul3A_288 = arith.constant 1.000000e+00 : f32
        %mul3A_289 = vector.broadcast %mul3A_288 : f32 to vector<16xf32>
        %mul3A_290 = arith.mulf %sub3A_287, %mul3A_289 : vector<16xf32>
        %swap3A_291 = arith.index_cast %scan3A_263 : i32 to index
        %swap3A_292 = arith.constant 16 : index
        %swap3A_293 = tpu.vector_load %arg15[%swap3A_291, %swap3A_292] {strides = array<i32>} : memref<80x128xf32, #tpu.memory_space<vmem>>, vector<1x16xf32>,
        %swap3A_294 = vector.shape_cast %swap3A_293 : vector<1x16xf32> to vector<16xf32>
        %swap3A_295 = vector.shape_cast %mul3A_290 : vector<16xf32> to vector<1x16xf32>
        tpu.vector_store %arg15[%swap3A_291, %swap3A_292], %swap3A_295 {strides = array<i32>} : memref<80x128xf32, #tpu.memory_space<vmem>>, vector<1x16xf32>,
        %get3A_296 = arith.index_cast %scan3A_263 : i32 to index
        %get3A_297 = arith.constant 32 : index
        %get3A_298 = tpu.vector_load %arg15[%get3A_296, %get3A_297] {strides = array<i32>} : memref<80x128xf32, #tpu.memory_space<vmem>>, vector<1x16xf32>,
        %get3A_299 = vector.shape_cast %get3A_298 : vector<1x16xf32> to vector<16xf32>
        %get3A_300 = arith.index_cast %scan3A_263 : i32 to index
        %get3A_301 = arith.constant 32 : index
        %get3A_302 = tpu.vector_load %arg16[%get3A_300, %get3A_301] {strides = array<i32>} : memref<80x128xf32, #tpu.memory_space<vmem>>, vector<1x16xf32>,
        %get3A_303 = vector.shape_cast %get3A_302 : vector<1x16xf32> to vector<16xf32>
        %sub3A_304 = arith.subf %get3A_299, %get3A_303 : vector<16xf32>
        %mul3A_305 = arith.constant 1.000000e+00 : f32
        %mul3A_306 = vector.broadcast %mul3A_305 : f32 to vector<16xf32>
        %mul3A_307 = arith.mulf %sub3A_304, %mul3A_306 : vector<16xf32>
        %swap3A_308 = arith.index_cast %scan3A_263 : i32 to index
        %swap3A_309 = arith.constant 32 : index
        %swap3A_310 = tpu.vector_load %arg15[%swap3A_308, %swap3A_309] {strides = array<i32>} : memref<80x128xf32, #tpu.memory_space<vmem>>, vector<1x16xf32>,
        %swap3A_311 = vector.shape_cast %swap3A_310 : vector<1x16xf32> to vector<16xf32>
        %swap3A_312 = vector.shape_cast %mul3A_307 : vector<16xf32> to vector<1x16xf32>
        tpu.vector_store %arg15[%swap3A_308, %swap3A_309], %swap3A_312 {strides = array<i32>} : memref<80x128xf32, #tpu.memory_space<vmem>>, vector<1x16xf32>,
        %get3A_313 = arith.index_cast %scan3A_263 : i32 to index
        %get3A_314 = arith.constant 48 : index
        %get3A_315 = tpu.vector_load %arg15[%get3A_313, %get3A_314] {strides = array<i32>} : memref<80x128xf32, #tpu.memory_space<vmem>>, vector<1x16xf32>,
        %get3A_316 = vector.shape_cast %get3A_315 : vector<1x16xf32> to vector<16xf32>
        %get3A_317 = arith.index_cast %scan3A_263 : i32 to index
        %get3A_318 = arith.constant 48 : index
        %get3A_319 = tpu.vector_load %arg16[%get3A_317, %get3A_318] {strides = array<i32>} : memref<80x128xf32, #tpu.memory_space<vmem>>, vector<1x16xf32>,
        %get3A_320 = vector.shape_cast %get3A_319 : vector<1x16xf32> to vector<16xf32>
        %sub3A_321 = arith.subf %get3A_316, %get3A_320 : vector<16xf32>
        %mul3A_322 = arith.constant 1.000000e+00 : f32
        %mul3A_323 = vector.broadcast %mul3A_322 : f32 to vector<16xf32>
        %mul3A_324 = arith.mulf %sub3A_321, %mul3A_323 : vector<16xf32>
        %swap3A_325 = arith.index_cast %scan3A_263 : i32 to index
        %swap3A_326 = arith.constant 48 : index
        %swap3A_327 = tpu.vector_load %arg15[%swap3A_325, %swap3A_326] {strides = array<i32>} : memref<80x128xf32, #tpu.memory_space<vmem>>, vector<1x16xf32>,
        %swap3A_328 = vector.shape_cast %swap3A_327 : vector<1x16xf32> to vector<16xf32>
        %swap3A_329 = vector.shape_cast %mul3A_324 : vector<16xf32> to vector<1x16xf32>
        tpu.vector_store %arg15[%swap3A_325, %swap3A_326], %swap3A_329 {strides = array<i32>} : memref<80x128xf32, #tpu.memory_space<vmem>>, vector<1x16xf32>,
        %get3A_330 = arith.index_cast %scan3A_263 : i32 to index
        %get3A_331 = arith.constant 64 : index
        %get3A_332 = tpu.vector_load %arg15[%get3A_330, %get3A_331] {strides = array<i32>} : memref<80x128xf32, #tpu.memory_space<vmem>>, vector<1x16xf32>,
        %get3A_333 = vector.shape_cast %get3A_332 : vector<1x16xf32> to vector<16xf32>
        %get3A_334 = arith.index_cast %scan3A_263 : i32 to index
        %get3A_335 = arith.constant 64 : index
        %get3A_336 = tpu.vector_load %arg16[%get3A_334, %get3A_335] {strides = array<i32>} : memref<80x128xf32, #tpu.memory_space<vmem>>, vector<1x16xf32>,
        %get3A_337 = vector.shape_cast %get3A_336 : vector<1x16xf32> to vector<16xf32>
        %sub3A_338 = arith.subf %get3A_333, %get3A_337 : vector<16xf32>
        %mul3A_339 = arith.constant 1.000000e+00 : f32
        %mul3A_340 = vector.broadcast %mul3A_339 : f32 to vector<16xf32>
        %mul3A_341 = arith.mulf %sub3A_338, %mul3A_340 : vector<16xf32>
        %swap3A_342 = arith.index_cast %scan3A_263 : i32 to index
        %swap3A_343 = arith.constant 64 : index
        %swap3A_344 = tpu.vector_load %arg15[%swap3A_342, %swap3A_343] {strides = array<i32>} : memref<80x128xf32, #tpu.memory_space<vmem>>, vector<1x16xf32>,
        %swap3A_345 = vector.shape_cast %swap3A_344 : vector<1x16xf32> to vector<16xf32>
        %swap3A_346 = vector.shape_cast %mul3A_341 : vector<16xf32> to vector<1x16xf32>
        tpu.vector_store %arg15[%swap3A_342, %swap3A_343], %swap3A_346 {strides = array<i32>} : memref<80x128xf32, #tpu.memory_space<vmem>>, vector<1x16xf32>,
        %get3A_347 = arith.index_cast %scan3A_263 : i32 to index
        %get3A_348 = arith.constant 80 : index
        %get3A_349 = tpu.vector_load %arg15[%get3A_347, %get3A_348] {strides = array<i32>} : memref<80x128xf32, #tpu.memory_space<vmem>>, vector<1x16xf32>,
        %get3A_350 = vector.shape_cast %get3A_349 : vector<1x16xf32> to vector<16xf32>
        %get3A_351 = arith.index_cast %scan3A_263 : i32 to index
        %get3A_352 = arith.constant 80 : index
        %get3A_353 = tpu.vector_load %arg16[%get3A_351, %get3A_352] {strides = array<i32>} : memref<80x128xf32, #tpu.memory_space<vmem>>, vector<1x16xf32>,
        %get3A_354 = vector.shape_cast %get3A_353 : vector<1x16xf32> to vector<16xf32>
        %sub3A_355 = arith.subf %get3A_350, %get3A_354 : vector<16xf32>
        %mul3A_356 = arith.constant 1.000000e+00 : f32
        %mul3A_357 = vector.broadcast %mul3A_356 : f32 to vector<16xf32>
        %mul3A_358 = arith.mulf %sub3A_355, %mul3A_357 : vector<16xf32>
        %swap3A_359 = arith.index_cast %scan3A_263 : i32 to index
        %swap3A_360 = arith.constant 80 : index
        %swap3A_361 = tpu.vector_load %arg15[%swap3A_359, %swap3A_360] {strides = array<i32>} : memref<80x128xf32, #tpu.memory_space<vmem>>, vector<1x16xf32>,
        %swap3A_362 = vector.shape_cast %swap3A_361 : vector<1x16xf32> to vector<16xf32>
        %swap3A_363 = vector.shape_cast %mul3A_358 : vector<16xf32> to vector<1x16xf32>
        tpu.vector_store %arg15[%swap3A_359, %swap3A_360], %swap3A_363 {strides = array<i32>} : memref<80x128xf32, #tpu.memory_space<vmem>>, vector<1x16xf32>,
        %get3A_364 = arith.index_cast %scan3A_263 : i32 to index
        %get3A_365 = arith.constant 96 : index
        %get3A_366 = tpu.vector_load %arg15[%get3A_364, %get3A_365] {strides = array<i32>} : memref<80x128xf32, #tpu.memory_space<vmem>>, vector<1x16xf32>,
        %get3A_367 = vector.shape_cast %get3A_366 : vector<1x16xf32> to vector<16xf32>
        %get3A_368 = arith.index_cast %scan3A_263 : i32 to index
        %get3A_369 = arith.constant 96 : index
        %get3A_370 = tpu.vector_load %arg16[%get3A_368, %get3A_369] {strides = array<i32>} : memref<80x128xf32, #tpu.memory_space<vmem>>, vector<1x16xf32>,
        %get3A_371 = vector.shape_cast %get3A_370 : vector<1x16xf32> to vector<16xf32>
        %sub3A_372 = arith.subf %get3A_367, %get3A_371 : vector<16xf32>
        %mul3A_373 = arith.constant 1.000000e+00 : f32
        %mul3A_374 = vector.broadcast %mul3A_373 : f32 to vector<16xf32>
        %mul3A_375 = arith.mulf %sub3A_372, %mul3A_374 : vector<16xf32>
        %swap3A_376 = arith.index_cast %scan3A_263 : i32 to index
        %swap3A_377 = arith.constant 96 : index
        %swap3A_378 = tpu.vector_load %arg15[%swap3A_376, %swap3A_377] {strides = array<i32>} : memref<80x128xf32, #tpu.memory_space<vmem>>, vector<1x16xf32>,
        %swap3A_379 = vector.shape_cast %swap3A_378 : vector<1x16xf32> to vector<16xf32>
        %swap3A_380 = vector.shape_cast %mul3A_375 : vector<16xf32> to vector<1x16xf32>
        tpu.vector_store %arg15[%swap3A_376, %swap3A_377], %swap3A_380 {strides = array<i32>} : memref<80x128xf32, #tpu.memory_space<vmem>>, vector<1x16xf32>,
        %get3A_381 = arith.index_cast %scan3A_263 : i32 to index
        %get3A_382 = arith.constant 112 : index
        %get3A_383 = tpu.vector_load %arg15[%get3A_381, %get3A_382] {strides = array<i32>} : memref<80x128xf32, #tpu.memory_space<vmem>>, vector<1x16xf32>,
        %get3A_384 = vector.shape_cast %get3A_383 : vector<1x16xf32> to vector<16xf32>
        %get3A_385 = arith.index_cast %scan3A_263 : i32 to index
        %get3A_386 = arith.constant 112 : index
        %get3A_387 = tpu.vector_load %arg16[%get3A_385, %get3A_386] {strides = array<i32>} : memref<80x128xf32, #tpu.memory_space<vmem>>, vector<1x16xf32>,
        %get3A_388 = vector.shape_cast %get3A_387 : vector<1x16xf32> to vector<16xf32>
        %sub3A_389 = arith.subf %get3A_384, %get3A_388 : vector<16xf32>
        %mul3A_390 = arith.constant 1.000000e+00 : f32
        %mul3A_391 = vector.broadcast %mul3A_390 : f32 to vector<16xf32>
        %mul3A_392 = arith.mulf %sub3A_389, %mul3A_391 : vector<16xf32>
        %swap3A_393 = arith.index_cast %scan3A_263 : i32 to index
        %swap3A_394 = arith.constant 112 : index
        %swap3A_395 = tpu.vector_load %arg15[%swap3A_393, %swap3A_394] {strides = array<i32>} : memref<80x128xf32, #tpu.memory_space<vmem>>, vector<1x16xf32>,
        %swap3A_396 = vector.shape_cast %swap3A_395 : vector<1x16xf32> to vector<16xf32>
        %swap3A_397 = vector.shape_cast %mul3A_392 : vector<16xf32> to vector<1x16xf32>
        tpu.vector_store %arg15[%swap3A_393, %swap3A_394], %swap3A_397 {strides = array<i32>} : memref<80x128xf32, #tpu.memory_space<vmem>>, vector<1x16xf32>,
      }
      %scan3A_255 = arith.constant 80 : i32
      %mul3A_256 = arith.constant 80 : i32
      %mul3A_257 = arith.muli %add3A_226, %mul3A_256 : i32
      %add3A_258 = arith.addi %mul3A_2, %mul3A_257 : i32
      %dma_start3A_259 = arith.constant 0 : i32
      %dma_start3A_260 = tpu.memref_slice %arg4[%add3A_258, %dma_start3A_259] : memref<320000x128xf32, #tpu.memory_space<hbm>> -> memref<80x128xf32, #tpu.memory_space<hbm>>
      %dma_start3A_261 = arith.constant 0 : i32
      %dma_start3A_262 = tpu.memref_slice %arg4[%add3A_258, %dma_start3A_261] : memref<320000x128xf32, #tpu.memory_space<hbm>> -> memref<80x128xf32, #tpu.memory_space<hbm>>
      tpu.enqueue_dma source(%arg15 : memref<80x128xf32, #tpu.memory_space<vmem>>) target(%dma_start3A_262 : memref<80x128xf32, #tpu.memory_space<hbm>>) target_semaphore(%arg26 : memref<!tpu.dma_semaphore, #tpu.memory_space<semaphore_mem>>)
    }
    %scan3A_58 = arith.constant 25 : i32
    %dma_wait3A = arith.constant 0 : i32
    %dma_wait3A_59 = tpu.memref_slice %arg4[%mul3A_2, %dma_wait3A] : memref<320000x128xf32, #tpu.memory_space<hbm>> -> memref<80x128xf32, #tpu.memory_space<hbm>>
    %dma_wait3A_60 = arith.constant 0 : i32
    %dma_wait3A_61 = tpu.memref_slice %arg4[%mul3A_2, %dma_wait3A_60] : memref<320000x128xf32, #tpu.memory_space<hbm>> -> memref<80x128xf32, #tpu.memory_space<hbm>>
    tpu.wait_dma2 semaphore(%arg25 : memref<!tpu.dma_semaphore, #tpu.memory_space<semaphore_mem>>) src(%arg13 : memref<80x128xf32, #tpu.memory_space<vmem>>) dst(%dma_wait3A_61 : memref<80x128xf32, #tpu.memory_space<hbm>>)
    %dma_wait3A_62 = arith.constant 0 : i32
    %dma_wait3A_63 = tpu.memref_slice %arg4[%mul3A_2, %dma_wait3A_62] : memref<320000x128xf32, #tpu.memory_space<hbm>> -> memref<80x128xf32, #tpu.memory_space<hbm>>
    %dma_wait3A_64 = arith.constant 0 : i32
    %dma_wait3A_65 = tpu.memref_slice %arg4[%mul3A_2, %dma_wait3A_64] : memref<320000x128xf32, #tpu.memory_space<hbm>> -> memref<80x128xf32, #tpu.memory_space<hbm>>
    tpu.wait_dma2 semaphore(%arg26 : memref<!tpu.dma_semaphore, #tpu.memory_space<semaphore_mem>>) src(%arg15 : memref<80x128xf32, #tpu.memory_space<vmem>>) dst(%dma_wait3A_65 : memref<80x128xf32, #tpu.memory_space<hbm>>)
    return
  }
}

module attributes {stable_mosaic.version = 14 : i64} {
  func.func @_norm_body(%arg0: i32, %arg1: memref<2000x128xf32, #tpu.memory_space<vmem>>, %arg2: memref<2000x128xf32, #tpu.memory_space<vmem>>) attributes {dimension_semantics = [#tpu.dimension_semantics<arbitrary>], iteration_bounds = array<i64: 5>, scalar_prefetch = 0 : i64, scratch_operands = 0 : i64, tpu.core_type = #tpu.core_type<tc>, window_params = [{transform_indices = @transform_0, window_bounds = array<i64: 2000, 128>}, {transform_indices = @transform_1, window_bounds = array<i64: 2000, 128>}]} {
    %get3A = arith.constant 0 : index
    %get3A_0 = arith.constant 0 : index
    %get3A_1 = vector.load %arg1[%get3A, %get3A_0] : memref<2000x128xf32, #tpu.memory_space<vmem>>, vector<2000x128xf32>
    %sub3A = arith.constant 0.000000e+00 : f32
    %sub3A_2 = vector.broadcast %sub3A : f32 to vector<2000x128xf32>
    %sub3A_3 = arith.subf %get3A_1, %sub3A_2 : vector<2000x128xf32>
    %mul3A = arith.constant 1.000000e+00 : f32
    %mul3A_4 = vector.broadcast %mul3A : f32 to vector<2000x128xf32>
    %mul3A_5 = arith.mulf %sub3A_3, %mul3A_4 : vector<2000x128xf32>
    %swap3A = arith.constant 0 : index
    %swap3A_6 = arith.constant 0 : index
    %swap3A_7 = vector.load %arg2[%swap3A, %swap3A_6] : memref<2000x128xf32, #tpu.memory_space<vmem>>, vector<2000x128xf32>
    tpu.vector_store %arg2[%swap3A, %swap3A_6], %mul3A_5 {strides = array<i32>} : memref<2000x128xf32, #tpu.memory_space<vmem>>, vector<2000x128xf32>,
    return
  }
  func.func @transform_0(%arg0: i32) -> (i32, i32) {
    %c0_i32 = arith.constant 0 : i32
    %c0_i32_0 = arith.constant 0 : i32
    return %arg0, %c0_i32 : i32, i32
  }
  func.func @transform_1(%arg0: i32) -> (i32, i32) {
    %c0_i32 = arith.constant 0 : i32
    %c0_i32_0 = arith.constant 0 : i32
    return %arg0, %c0_i32 : i32, i32
  }
}

</mosaic_0001>

<sc_bundles>
// kernel: kernel.4.cloned.1.call-start
scs
__scs_entry_jumppad:
0x0: {  	(pc) =	sbr.rel $0x88, $3  }
0x1: {  	(tag) =	ssettag $0x0;
	lr =	simm.s32 $0x1  }
0x2: {  	[smem:$0x3F9F] =	sst lr;
	_ =	strace $0xD0000000  }
0x3: {  	_ = 	snop  }
0x4: {  	_ = 	snop  }
0x5: {  	_ = 	snop  }
0x6: {  	_ = 	snop  }
0x7: {  	_ = 	snop  }
__scs_overlays_trampoline_lowered:
0x8: {  	[smem:$0x3FAE] =	sst s0  }
0x9: {  	[smem:$0x3FAF] =	sst s1  }
0xa: {  	[smem:$0x3FB0] =	sst s2  }
0xb: {  	[smem:$0x3FB1] =	sst s3  }
0xc: {  	[smem:$0x3FB2] =	sst s4  }
0xd: {  	[smem:$0x3FB3] =	sst s5  }
0xe: {  	[smem:$0x3FB4] =	sst s6  }
0xf: {  	[smem:$0x3FB5] =	sst s7  }
0x10: {  	[smem:$0x3FB6] =	sst s8  }
0x11: {  	[smem:$0x3FB7] =	sst s9;
	s0 =	simm.s32 @!p0 $0x0  }
0x12: {  	s1 =	sld [smem:$0x3F9D];
	s0 =	simm.s32 @p0 $0x1  }
0x13: {  	[smem:$0x3FB8] =	sst s0;
	s0 =	simm.s32 @!p1 $0x0  }
0x14: {  	s2 =	sld [smem:$0x3F9C];
	s0 =	simm.s32 @p1 $0x1  }
0x15: {  	[smem:$0x3FB9] =	sst s0;
	s0 =	simm.s32 @!p2 $0x0  }
0x16: {  	s3 =	sld [smem:$0x3FDB];
	s0 =	simm.s32 @p2 $0x1  }
0x17: {  	s4 =	simm.s32 $0x1BF5;
	[smem:$0x3FBB] =	sst s0  }
0x18: {  	s0 =	sld [smem:$0x3F9E];
	_ =	swait.ge [sflag:s4], $0x0  }
0x19: {  	s7 =	sld [smem:$0x3F9F]  }
0x1a: {  	s8 =	sadd.s32 $0xFFFFE003, lr  }
0x1b: {  	s9 =	sadd.s32 $0xFFFFFEF7, lr;
	s5 =	simm.s32 $0xFFFFFFFF;
	p2 =	slt.u32 s8, $0xFFFFF086  }
0x1c: {  	p1 =	slt.u32 s9, $0xF7A;
	s5 =	simm.s32 @!p2 $0x0  }
0x1d: {  	s5 =	simm.s32 @p1 $0x1;
	p0 =	seq.s32 s7, s2  }
0x1e: {  	s7 =	smul.u32 @!p0 $0xF7A, s2;
	p2 =	seq.s32 @!p0 s5, $0x0  }
0x1f: {  	s9 =	smul.u32 $0xF7A, s1;
	s8 =	simm.s32 @!p0 $0x1BF5;
	p2 =	por !p2, p0  }
0x20: {  	[sflag:s8] =	ssyncset.s32 @!p0 $0xFFFFF086;
	s6 =	sadd.s32 @!p0 s3, s7;
	s7 =	simm.s32 @!p0 $0x108  }
0x21: {  	s3 =	sadd.s32 s3, s9;
	s6 =	sadd.s32 @!p0 $0x88, s6;
	s7 =	simm.s32 @p2 $0x1082  }
0x22: {  	[simem:s7], [sflag:s8] =	dma.local @!p0 [hbm:s6], $0xF7A  }
0x23: {  	s9 =	sor.u32 $0xD0000000, s2;
	s6 =	simm.s32 $0x108;
	_ =	swait.ge @!p0 [sflag:s8], $0x0  }
0x24: {  	s3 =	sadd.s32 $0x88, s3;
	s6 =	simm.s32 @!p1 $0x1082;
	[sflag:s4] =	ssyncset.s32 $0xFFFFF086  }
0x25: {  	[simem:s6], [sflag:s4] =	dma.local [hbm:s3], $0xF7A  }
0x26: {  	[smem:$0x3F9F] =	sst s1;
	(tag) =	ssettag s2;
	_ =	strace s9  }
0x27: {  	s1 =	sld [smem:$0x3FAF]  }
0x28: {  	s2 =	sld [smem:$0x3FB0]  }
0x29: {  	s4 =	sld [smem:$0x3FB2]  }
0x2a: {  	p0 =	seq.s32 s5, $0x0;
	s5 =	sld [smem:$0x3FB3]  }
0x2b: {  	s6 =	sld [smem:$0x3FB4]  }
0x2c: {  	s7 =	sld [smem:$0x3FB5]  }
0x2d: {  	s3 =	simm.s32 $0x108;
	s8 =	sld [smem:$0x3FB6]  }
0x2e: {  	s3 =	simm.s32 @!p0 $0x1082;
	s9 =	sld [smem:$0x3FB7]  }
0x2f: {  	lr =	sadd.s32 s0, s3;
	s0 =	sld [smem:$0x3FAE]  }
0x30: {  	s3 =	sld [smem:$0x3FB1]  }
0x31: {  	[smem:$0x3FBA] =	sst s10  }
0x32: {  	s10 =	sld [smem:$0x3FB8];
	_ =	sdelay $0x3  }
0x33: {  	p0 =	seq.s32 s10, $0x1;
	s10 =	sld [smem:$0x3FBA];
	_ =	sdelay $0x3  }
0x34: {  	[smem:$0x3FBA] =	sst s10  }
0x35: {  	s10 =	sld [smem:$0x3FB9];
	_ =	sdelay $0x3  }
0x36: {  	p1 =	seq.s32 s10, $0x1;
	s10 =	sld [smem:$0x3FBA];
	_ =	sdelay $0x3  }
0x37: {  	[smem:$0x3FBA] =	sst s10  }
0x38: {  	s10 =	sld [smem:$0x3FBB]  }
0x39: {  	_ = 	snop;
	(pc) =	sbr.ind lr, $3  }
0x3a: {  	_ = 	snop  }
0x3b: {  	_ = 	snop  }
0x3c: {  	p2 =	seq.s32 s10, $0x1;
	s10 =	sld [smem:$0x3FBA]  }
0x3d: {  	_ =	shalt  }
0x3e: {  	_ =	shalt  }
0x3f: {  	_ =	shalt  }
0x40: {  	_ =	shalt  }
0x41: {  	_ =	shalt  }
0x42: {  	_ =	shalt  }
0x43: {  	_ =	shalt  }
0x44: {  	_ =	shalt  }
0x45: {  	_ =	shalt  }
0x46: {  	_ =	shalt  }
0x47: {  	_ =	shalt  }
0x48: {  	_ =	shalt  }
0x49: {  	_ =	shalt  }
0x4a: {  	_ =	shalt  }
0x4b: {  	_ =	shalt  }
0x4c: {  	_ =	shalt  }
0x4d: {  	_ =	shalt  }
0x4e: {  	_ =	shalt  }
0x4f: {  	_ =	shalt  }
0x50: {  	_ =	shalt  }
0x51: {  	_ =	shalt  }
0x52: {  	_ =	shalt  }
0x53: {  	_ =	shalt  }
0x54: {  	_ =	shalt  }
0x55: {  	_ =	shalt  }
0x56: {  	_ =	shalt  }
0x57: {  	_ =	shalt  }
0x58: {  	_ =	shalt  }
0x59: {  	_ =	shalt  }
0x5a: {  	_ =	shalt  }
0x5b: {  	_ =	shalt  }
0x5c: {  	_ =	shalt  }
0x5d: {  	_ =	shalt  }
0x5e: {  	_ =	shalt  }
0x5f: {  	_ =	shalt  }
0x60: {  	_ =	shalt  }
0x61: {  	_ =	shalt  }
0x62: {  	_ =	shalt  }
0x63: {  	_ =	shalt  }
0x64: {  	_ =	shalt  }
0x65: {  	_ =	shalt  }
0x66: {  	_ =	shalt  }
0x67: {  	_ =	shalt  }
0x68: {  	_ =	shalt  }
0x69: {  	_ =	shalt  }
0x6a: {  	_ =	shalt  }
0x6b: {  	_ =	shalt  }
0x6c: {  	_ =	shalt  }
0x6d: {  	_ =	shalt  }
0x6e: {  	_ =	shalt  }
0x6f: {  	_ =	shalt  }
0x70: {  	_ =	shalt  }
0x71: {  	_ =	shalt  }
0x72: {  	_ =	shalt  }
0x73: {  	_ =	shalt  }
0x74: {  	_ =	shalt  }
0x75: {  	_ =	shalt  }
0x76: {  	_ =	shalt  }
0x77: {  	_ =	shalt  }
0x78: {  	_ =	shalt  }
0x79: {  	_ =	shalt  }
0x7a: {  	_ =	shalt  }
0x7b: {  	_ =	shalt  }
0x7c: {  	_ =	shalt  }
0x7d: {  	_ =	shalt  }
0x7e: {  	_ =	shalt  }
0x7f: {  	_ =	shalt  }
0x80: {  	_ =	shalt  }
0x81: {  	_ =	shalt  }
0x82: {  	_ =	shalt  }
0x83: {  	_ =	shalt  }
0x84: {  	_ =	shalt  }
0x85: {  	_ =	shalt  }
0x86: {  	_ =	shalt  }
0x87: {  	_ =	shalt  }
.Lfunc_end0:
.L_simem_size_0:
called_computation_lowered:
.L_overlay_start_0:
0x88: {  	s2 =	sld [smem:$0x3FD9]  }
0x89: {  	s3 =	sld [smem:$0x3FFE];
	_ =	sdelay $0x1  }
0x8a: {  	s1 =	srdreg.scid  }
0x8b: {  	s0 =	sand.u32 $0x1, s1  }
0x8c: {  	s14 =	sshll.u32 s0, $0xA;
	s2 =	sadd.s32 s3, s2  }
0x8d: {  	s2 =	sadd.s32 s2, s14  }
0x8e: {  	[smem:$0x3FC6] =	sst s2  }
0x8f: {  	_ = 	snop  }
0x90: {  	s2 =	sld [smem:$0x3FD0];
	_ =	sdelay $0x2  }
0x91: {  	s4 =	simm.s32 $0xA;
	s5 =	simm.s32 $0x10;
	s15 =	sld [smem:$0x3FC9]  }
0x92: {  	[smem:s5], [sflag:s4] =	dma.local [hbm:s2], $0x1  }
0x93: {  	_ =	swait.eq [sflag:s4], $0x1  }
0x94: {  	[sflag:s4] =	ssyncset.done $0x0  }
0x95: {  	[sflag:s4] =	ssyncadd.s32 $0xFFFFFFFF  }
0x96: {  	s16 =	sld [smem:$0x11];
	(tm) =	ssettm $0x1  }
0x97: {  	s17 =	sld [smem:$0x3FFB];
	_ =	sdelay $0x3  }
0x98: {  	_ =	strace s17  }
0x99: {  	s4 =	sld [smem:$0x3FFC];
	_ =	sdelay $0x3  }
0x9a: {  	_ =	strace s4  }
0x9b: {  	s4 =	sld [smem:$0x3FFD];
	_ =	sdelay $0x3  }
0x9c: {  	_ =	strace s4  }
0x9d: {  	_ =	strace $0x8FFFFFFF  }
0x9e: {  	s18 =	sld [smem:$0x3FDB];
	_ =	sdelay $0x1  }
0x9f: {  	s19 =	simm.s32 $_scs_section_size  }
0xa0: {  	s6 =	simm.s32 $_size__tile_overlayer_lowered;
	s7 =	simm.s32 $_tile_overlayer_lowered  }
0xa1: {  	s22 =	simm.s32 $0x1BFF;
	s21 =	sshll.u32 s7, $0x1;
	s4 =	sadd.s32 s19, s18  }
0xa2: {  	s8 =	simm.s32 $0x0;
	s20 =	sshll.u32 s6, $0x1;
	s6 =	sadd.s32 s21, s4  }
0xa3: {  	[timem:s8], [sflag:s22] =	dma.local [hbm:s6], s20  }
0xa4: {  	_ =	swait.ge [sflag:s22], s20  }
0xa5: {  	s5 =	ssub.s32 $0x0, s20;
	[sflag:s22] =	ssyncset.done $0x0  }
0xa6: {  	[sflag:s22] =	ssyncadd.s32 s5;
	_ =	sdelay $0x1  }
0xa7: {  	s23 =	simm.s32 $0x1B8B  }
0xa8: {  	_ =	swait.ge [sflag:s23], $0x1  }
0xa9: {  	[sflag:s23] =	ssyncset.done $0x0  }
0xaa: {  	s25 =	simm.s32 $0x1B8E;
	s24 =	sld [smem:$0x3FFE];
	[sflag:s23] =	ssyncadd.s32 $0xFFFFFFFF  }
0xab: {  	s26 =	simm.s32 $execute0_lowered;
	[smem:$0x3FD2] =	sst s25  }
0xac: {  	s6 =	sshll.u32 s26, $0x1;
	_ =	strace $0x80000046;
	[dreg:$0x1] =	wrdreg $0xFFFFFFFF  }
0xad: {  	s28 =	simm.s32 $_size_execute0_lowered;
	s4 =	sadd.s32 s4, s6;
	[dreg:$0x0] =	wrdreg $0x0  }
0xae: {  	s6 =	sshll.u32 s28, $0x1;
	[dreg:$0x2] =	wrdreg s4  }
0xaf: {  	[dreg:$0x3] =	wrdreg s6  }
0xb0: {  	[dreg:$0x4] =	wrdreg $0xC0  }
0xb1: {  	_ =	task [dreg:s8], $0x5FFFF  }
0xb2: {  	[dreg:$0x1] =	wrdreg $0xFFFFFFFF  }
0xb3: {  	[dreg:$0x0] =	wrdreg $0x60  }
0xb4: {  	[dreg:$0x2] =	wrdreg s15  }
0xb5: {  	[dreg:$0x3] =	wrdreg s24  }
0xb6: {  	[dreg:$0x4] =	wrdreg s16  }
0xb7: {  	[dreg:$0x5] =	wrdreg $0x9  }
0xb8: {  	_ =	task.clear_ibuf [dreg:s8], $0x6FFFF;
	_ =	strace $0x90000046  }
0xb9: {  	s29 =	simm.s32 $0x9;
	_ =	strace $0x80000048  }
0xba: {  	_ =	swait.ge [sflag:s29], $0x1  }
0xbb: {  	[sflag:s29] =	ssyncadd.s32 $0xFFFFFFFF  }
0xbc: {  	_ =	strace $0x90000048  }
0xbd: {  	_ =	sfence  }
0xbe: {  	s30 =	sld [smem:$0x0];
	_ =	sdelay $0x2  }
0xbf: {  	s31 =	sshll.u32 s1, $0xD;
	s1 =	sshrl.u32 s1, $0x2  }
0xc0: {  	s3 =	sand.u32 $0x4000, s31;
	s1 =	sadd.s32 s1, s30  }
0xc1: {  	s0 =	sor.u32 s3, s0;
	s1 =	sshll.u32 s1, $0x11  }
0xc2: {  	s0 =	sor.u32 s1, s0  }
0xc3: {  	s0 =	sadd.s32 $0x8F2B, s0  }
0xc4: {  	[sflag:s0] =	ssyncadd.remote.s32 $0x1  }
0xc5: {  	_ =	sfence.sel $0xFFFF  }
0xc6: {  	[dreg:$0x0] =	wrdreg $0xFFFFFFFF;
	(pc) =	sbr.abs _section_cstart, $3  }
0xc7: {  	[dreg:$0x1] =	wrdreg $0xFFFFFFFF  }
0xc8: {  	_ =	task.clear_ibuf [dreg:s8], $0x2FFFF;
	_ =	strace $0x9FFFFFFF  }
0xc9: {  	(tm) =	ssettm $0x7FFFFFFF  }
tec
execute0_lowered:
.L_overlay_start_1:
0x0: {  	(tag) =	ssettag $0x1  }
0x1: {  	s0 =	srdreg.scid;
	s2 =	rddreg [dreg:$0x0]  }
0x2: {  	s1 =	stileid.u32;
	s6 =	rddreg [dreg:$0x1]  }
0x3: {  	s4 =	rddreg [dreg:$0x2];
	s0 =	sand.u32 $0x1, s0;
	s1 =	sshll.u32 s1, $0x1  }
0x4: {  	s5 =	simm.s32 $0x0;
	s28 =	simm.s32 $0xEF00;
	s1 =	sor.u32 s0, s1  }
0x5: {  	s30 =	simm.s32 $0x13F00;
	s29 =	simm.s32 $0x3;
	s3 =	smul.u32 $0x2710, s1  }
0x6: {  	s8 =	simm.s32 $0x4;
	s9 =	simm.s32 $0x8;
	s0 =	ssub.s32 $0x2, s0  }
0x7: {  	s10 =	simm.s32 $0x5;
	s22 =	sshrl.u32 s0, $0x1;
	s1 =	sand.u32 $0x7FF80, s3  }
0x8: {  	s13 =	simm.s32 $0x0;
	s0 =	ssub.s32 s0, s22;
	s1 =	sshrl.u32 s1, $0x3  }
0x9: {  	[smem:$0x7FF] =	sst s5;
	s0 =	smax.u32 s0, $0x1;
	s1 =	sadd.s32 s1, s6  }
0xa: {  	_ =	strace $0x80000047;
	[dreg:$0xb] =	wrdreg s0;
	s7 =	sadd.s32 $0x600, s1  }
0xb: {  	s6 =	sand.u32 $0x70, s3;
	s1 =	sadd.s32 $0xA240, s1;
	[dreg:$0x4] =	wrdreg s7  }
0xc: {  	s22 =	simm.s32 $0x50;
	s23 =	sor.u32 $0x2780, s6;
	[dreg:$0x5] =	wrdreg s1  }
0xd: {  	s14 =	sadd.s32 $0x50, s3;
	s24 =	sadd.s32 $0x50, s6;
	[dreg:$0x6] =	wrdreg s23  }
0xe: {  	s16 =	sadd.s32 $0xA0, s3;
	s25 =	sadd.s32 $0x27D0, s6;
	[dreg:$0x7] =	wrdreg s24  }
0xf: {  	s0 =	simm.s32 $0x18F00;
	s26 =	sadd.s32 $0xA0, s6;
	[dreg:$0x8] =	wrdreg s25  }
0x10: {  	s31 =	sadd.s32 $0x2820, s6;
	s15 =	sadd.s32 $0x190, s6;
	[dreg:$0x9] =	wrdreg s26  }
0x11: {  	s17 =	sadd.s32 $0x1E0, s6;
	s18 =	sadd.s32 $0x230, s6;
	[dreg:$0xa] =	wrdreg s31  }
0x12: {  	s23 =	simm.s32 $0x4F00;
	s25 =	simm.s32 $0x9F00;
	s1 =	simm.s32 $0x1  }
0x13: {  	s24 =	simm.s32 $0x2;
	s26 =	simm.s32 $0x6;
	s7 =	simm.s32 $0x7  }
.LBB2_1:
0x14: {  	[dreg:$0xc] =	wrdreg s13  }
0x15: {  	s11 =	rddreg [dreg:$0x4];
	s12 =	simm.s32 $0xB  }
0x16: {  	[tilespmem:s5], [sflag:$0xB] =	stream.linear.gather [hbm4b:s11+s5], $0x2780, $0x38;
	[tilespmem:$0x1DF00] =	vst v63  }
0x17: {  	_ =	swait.ge [sflag:s12], $0x2780  }
0x18: {  	[sflag:s12] =	ssyncset.done $0x0  }
0x19: {  	s20 =	simm.s32 $0x2780;
	s19 =	rddreg [dreg:$0x5];
	[sflag:s12] =	ssyncadd.s32 $0xFFFFD880  }
0x1a: {  	[tilespmem:s20], [sflag:$0xB] =	stream.linear.gather [hbm4b:s19+s5], $0x2780, $0x38;
	[tilespmem:$0x1DF00] =	vst v63  }
0x1b: {  	_ =	swait.ge [sflag:s12], $0x2780  }
0x1c: {  	[sflag:s12] =	ssyncset.done $0x0  }
0x1d: {  	[sflag:s12] =	ssyncadd.s32 $0xFFFFD880  }
0x1e: {  	[tilespmem:s23], [sflag:$0x1] =	stream.indirect.gather [hbm4b:s2+s22], $0x80, s6, s22, $0xb8;
	[tilespmem:$0x1DF00] =	vst v63  }
0x1f: {  	s31 =	simm.s32 $0x7700;
	s21 =	rddreg [dreg:$0x6]  }
0x20: {  	[tilespmem:s31], [sflag:$0x1] =	stream.indirect.gather [hbm4b:s2+s22], $0x80, s21, s22, $0xb8;
	[tilespmem:$0x1DF00] =	vst v63  }
0x21: {  	s12 =	rddreg [dreg:$0x7]  }
0x22: {  	[tilespmem:s25], [sflag:$0x2] =	stream.indirect.gather [hbm4b:s2+s22], $0x80, s12, s22, $0xb8;
	[tilespmem:$0x1DF00] =	vst v63  }
0x23: {  	s19 =	simm.s32 $0xC700;
	s13 =	rddreg [dreg:$0x8]  }
0x24: {  	[tilespmem:s19], [sflag:$0x2] =	stream.indirect.gather [hbm4b:s2+s22], $0x80, s13, s22, $0xb8;
	[tilespmem:$0x1DF00] =	vst v63  }
0x25: {  	s20 =	rddreg [dreg:$0x9]  }
0x26: {  	[tilespmem:s28], [sflag:$0x3] =	stream.indirect.gather [hbm4b:s2+s22], $0x80, s20, s22, $0xb8;
	[tilespmem:$0x1DF00] =	vst v63  }
0x27: {  	s21 =	rddreg [dreg:$0xa];
	s31 =	simm.s32 $0x11700;
	s19 =	simm.s32 $0x0  }
0x28: {  	[tilespmem:s31], [sflag:$0x3] =	stream.indirect.gather [hbm4b:s2+s22], $0x80, s21, s22, $0xb8;
	[tilespmem:$0x1DF00] =	vst v63  }
.LBB2_2:
0x29: {  	p0 =	seq.s32 s19, $0x0  }
0x2a: {  	s11 =	smul.u32 $0x190, s19;
	s12 =	simm.s32 @!p0 $0x9  }
0x2b: {  	_ =	swait.ge @!p0 [sflag:s12], $0x2800  }
0x2c: {  	s20 =	sadd.s32 $0xF0, s11;
	[sflag:s12] =	ssyncset.done @!p0 $0x0  }
0x2d: {  	s31 =	sadd.s32 s6, s20;
	[sflag:s12] =	ssyncadd.s32 @!p0 $0xFFFFD800  }
0x2e: {  	[tilespmem:s30], [sflag:$0x4] =	stream.indirect.gather [hbm4b:s2+s22], $0x80, s31, s22, $0xb8;
	[tilespmem:$0x1DF00] =	vst v63  }
0x2f: {  	s13 =	simm.s32 $0x16700;
	s12 =	sadd.s32 $0x2780, s31  }
0x30: {  	[tilespmem:s13], [sflag:$0x4] =	stream.indirect.gather [hbm4b:s2+s22], $0x80, s12, s22, $0xb8;
	[tilespmem:$0x1DF00] =	vst v63  }
0x31: {  	_ =	swait.ge [sflag:s1], $0x2800  }
0x32: {  	[sflag:s1] =	ssyncset.done $0x0  }
0x33: {  	[sflag:s1] =	ssyncadd.s32 $0xFFFFD800  }
0x34: {  	_ =	swait.ge [sflag:s1], $0x2800  }
0x35: {  	[sflag:s1] =	ssyncset.done $0x0  }
0x36: {  	s12 =	simm.s32 $0x0;
	[sflag:s1] =	ssyncadd.s32 $0xFFFFD800  }
0x37: {  	v7 =	vld [tilespmem:s12+$0x7700]  }
0x38: {  	v11 =	vld [tilespmem:s12+$0x7710]  }
0x39: {  	v5 =	vld [tilespmem:s12+$0x7720]  }
0x3a: {  	v4 =	vld [tilespmem:s12+$0x7730]  }
0x3b: {  	v3 =	vld [tilespmem:s12+$0x7740]  }
0x3c: {  	v2 =	vld [tilespmem:s12+$0x7750]  }
0x3d: {  	v1 =	vld [tilespmem:s12+$0x7760]  }
0x3e: {  	v0 =	vld [tilespmem:s12+$0x7770]  }
0x3f: {  	v12 =	vld [tilespmem:s12+$0x4F00]  }
0x40: {  	v13 =	vld [tilespmem:s12+$0x4F10]  }
0x41: {  	v10 =	vld [tilespmem:s12+$0x4F20]  }
0x42: {  	v9 =	vld [tilespmem:s12+$0x4F30]  }
0x43: {  	v8 =	vld [tilespmem:s12+$0x4F40]  }
0x44: {  	v6 =	vld [tilespmem:s12+$0x4F50];
	v12 =	vsub.f32 v12, v7  }
0x45: {  	s13 =	simm.s32 $0x200;
	v11 =	vsub.f32 v13, v11;
	v7 =	vld [tilespmem:s12+$0x4F60]  }
.LBB2_3:
0x46: {  	s31 =	sshra.s32 s13, $0x2;
	p1 =	sne.s32 s13, $0x9E00;
	[tilespmem:s12+$0x4F00] =	vst v12;
	v5 =	vsub.f32 v10, v5;
	v10 =	vld [tilespmem:s12+$0x4F70]  }
0x47: {  	v12 =	vld [tilespmem:s31+$0x7700];
	[tilespmem:s12+$0x4F10] =	vst v11;
	v4 =	vsub.f32 v9, v4  }
0x48: {  	v11 =	vld [tilespmem:s31+$0x7710];
	[tilespmem:s12+$0x4F20] =	vst v5;
	v3 =	vsub.f32 v8, v3  }
0x49: {  	v5 =	vld [tilespmem:s31+$0x7720];
	[tilespmem:s12+$0x4F30] =	vst v4;
	v2 =	vsub.f32 v6, v2  }
0x4a: {  	v4 =	vld [tilespmem:s31+$0x7730];
	[tilespmem:s12+$0x4F40] =	vst v3;
	v1 =	vsub.f32 v7, v1  }
0x4b: {  	v3 =	vld [tilespmem:s31+$0x7740];
	[tilespmem:s12+$0x4F50] =	vst v2;
	v0 =	vsub.f32 v10, v0  }
0x4c: {  	v2 =	vld [tilespmem:s31+$0x7750];
	[tilespmem:s12+$0x4F60] =	vst v1  }
0x4d: {  	v1 =	vld [tilespmem:s31+$0x7760];
	[tilespmem:s12+$0x4F70] =	vst v0;
	s12 =	smov.u32 s31  }
0x4e: {  	v0 =	vld [tilespmem:s12+$0x7770]  }
0x4f: {  	v6 =	vld [tilespmem:s12+$0x4F00]  }
0x50: {  	v7 =	vld [tilespmem:s12+$0x4F10]  }
.Ltmp0:
0x51: {  	v10 =	vld [tilespmem:s12+$0x4F20];
	(pc) =	sbr.rel @p1 .LBB2_3-.Ltmp0, $4  }
0x52: {  	v9 =	vld [tilespmem:s12+$0x4F30]  }
0x53: {  	v8 =	vld [tilespmem:s12+$0x4F40]  }
0x54: {  	v12 =	vsub.f32 v6, v12;
	v6 =	vld [tilespmem:s12+$0x4F50]  }
0x55: {  	s13 =	sadd.s32 $0x200, s13;
	v11 =	vsub.f32 v7, v11;
	v7 =	vld [tilespmem:s12+$0x4F60]  }
0x56: {  	[tilespmem:s12+$0x4F00] =	vst v12;
	v5 =	vsub.f32 v10, v5;
	v10 =	vld [tilespmem:s12+$0x4F70]  }
0x57: {  	[tilespmem:s12+$0x4F10] =	vst v11;
	v4 =	vsub.f32 v9, v4  }
0x58: {  	[tilespmem:s12+$0x4F20] =	vst v5;
	v3 =	vsub.f32 v8, v3  }
0x59: {  	[tilespmem:s12+$0x4F30] =	vst v4;
	v2 =	vsub.f32 v6, v2  }
0x5a: {  	[tilespmem:s12+$0x4F40] =	vst v3;
	v1 =	vsub.f32 v7, v1  }
0x5b: {  	s13 =	sadd.s32 s3, s11;
	[tilespmem:s12+$0x4F50] =	vst v2;
	v0 =	vsub.f32 v10, v0  }
0x5c: {  	s13 =	sshll.u32 s13, $0x4;
	[tilespmem:s12+$0x4F60] =	vst v1  }
0x5d: {  	s13 =	sadd.s32 s4, s13;
	[tilespmem:s12+$0x4F70] =	vst v0  }
0x5e: {  	[hbm4b:s13+s5] =	stream.linear.scatter [tilespmem:s23], [sflag:$0x6], $0x2800, $0x38;
	[tilespmem:$0x1DF00] =	vst v63  }
0x5f: {  	s13 =	simm.s32 @!p0 $0xA  }
0x60: {  	_ =	swait.ge @!p0 [sflag:s13], $0x2800  }
0x61: {  	s12 =	sadd.s32 $0x140, s11;
	[sflag:s13] =	ssyncset.done @!p0 $0x0  }
0x62: {  	s21 =	sadd.s32 s6, s12;
	[sflag:s13] =	ssyncadd.s32 @!p0 $0xFFFFD800  }
0x63: {  	[tilespmem:s0], [sflag:$0x5] =	stream.indirect.gather [hbm4b:s2+s22], $0x80, s21, s22, $0xb8;
	[tilespmem:$0x1DF00] =	vst v63  }
0x64: {  	s13 =	sadd.s32 $0x2780, s21;
	s21 =	simm.s32 $0x1B700  }
0x65: {  	[tilespmem:s21], [sflag:$0x5] =	stream.indirect.gather [hbm4b:s2+s22], $0x80, s13, s22, $0xb8;
	[tilespmem:$0x1DF00] =	vst v63  }
0x66: {  	_ =	swait.ge [sflag:s24], $0x2800  }
0x67: {  	[sflag:s24] =	ssyncset.done $0x0  }
0x68: {  	[sflag:s24] =	ssyncadd.s32 $0xFFFFD800  }
0x69: {  	_ =	swait.ge [sflag:s24], $0x2800  }
0x6a: {  	[sflag:s24] =	ssyncset.done $0x0  }
0x6b: {  	s13 =	simm.s32 $0x0;
	[sflag:s24] =	ssyncadd.s32 $0xFFFFD800  }
0x6c: {  	v7 =	vld [tilespmem:s13+$0xC700]  }
0x6d: {  	v11 =	vld [tilespmem:s13+$0xC710]  }
0x6e: {  	v5 =	vld [tilespmem:s13+$0xC720]  }
0x6f: {  	v4 =	vld [tilespmem:s13+$0xC730]  }
0x70: {  	v3 =	vld [tilespmem:s13+$0xC740]  }
0x71: {  	v2 =	vld [tilespmem:s13+$0xC750]  }
0x72: {  	v1 =	vld [tilespmem:s13+$0xC760]  }
0x73: {  	v0 =	vld [tilespmem:s13+$0xC770]  }
0x74: {  	v12 =	vld [tilespmem:s13+$0x9F00]  }
0x75: {  	v13 =	vld [tilespmem:s13+$0x9F10]  }
0x76: {  	v10 =	vld [tilespmem:s13+$0x9F20]  }
0x77: {  	v9 =	vld [tilespmem:s13+$0x9F30]  }
0x78: {  	v8 =	vld [tilespmem:s13+$0x9F40]  }
0x79: {  	v6 =	vld [tilespmem:s13+$0x9F50];
	v12 =	vsub.f32 v12, v7  }
0x7a: {  	s31 =	simm.s32 $0x200;
	v11 =	vsub.f32 v13, v11;
	v7 =	vld [tilespmem:s13+$0x9F60]  }
.LBB2_5:
0x7b: {  	s21 =	sshra.s32 s31, $0x2;
	p0 =	sne.s32 s31, $0x9E00;
	[tilespmem:s13+$0x9F00] =	vst v12;
	v5 =	vsub.f32 v10, v5;
	v10 =	vld [tilespmem:s13+$0x9F70]  }
0x7c: {  	v12 =	vld [tilespmem:s21+$0xC700];
	[tilespmem:s13+$0x9F10] =	vst v11;
	v4 =	vsub.f32 v9, v4  }
0x7d: {  	v11 =	vld [tilespmem:s21+$0xC710];
	[tilespmem:s13+$0x9F20] =	vst v5;
	v3 =	vsub.f32 v8, v3  }
0x7e: {  	v5 =	vld [tilespmem:s21+$0xC720];
	[tilespmem:s13+$0x9F30] =	vst v4;
	v2 =	vsub.f32 v6, v2  }
0x7f: {  	v4 =	vld [tilespmem:s21+$0xC730];
	[tilespmem:s13+$0x9F40] =	vst v3;
	v1 =	vsub.f32 v7, v1  }
0x80: {  	v3 =	vld [tilespmem:s21+$0xC740];
	[tilespmem:s13+$0x9F50] =	vst v2;
	v0 =	vsub.f32 v10, v0  }
0x81: {  	v2 =	vld [tilespmem:s21+$0xC750];
	[tilespmem:s13+$0x9F60] =	vst v1  }
0x82: {  	v1 =	vld [tilespmem:s21+$0xC760];
	[tilespmem:s13+$0x9F70] =	vst v0;
	s13 =	smov.u32 s21  }
0x83: {  	v0 =	vld [tilespmem:s13+$0xC770]  }
0x84: {  	v6 =	vld [tilespmem:s13+$0x9F00]  }
0x85: {  	v7 =	vld [tilespmem:s13+$0x9F10]  }
.Ltmp1:
0x86: {  	v10 =	vld [tilespmem:s13+$0x9F20];
	(pc) =	sbr.rel @p0 .LBB2_5-.Ltmp1, $4  }
0x87: {  	v9 =	vld [tilespmem:s13+$0x9F30]  }
0x88: {  	v8 =	vld [tilespmem:s13+$0x9F40]  }
0x89: {  	v12 =	vsub.f32 v6, v12;
	v6 =	vld [tilespmem:s13+$0x9F50]  }
0x8a: {  	s31 =	sadd.s32 $0x200, s31;
	v11 =	vsub.f32 v7, v11;
	v7 =	vld [tilespmem:s13+$0x9F60]  }
0x8b: {  	[tilespmem:s13+$0x9F00] =	vst v12;
	v5 =	vsub.f32 v10, v5;
	v10 =	vld [tilespmem:s13+$0x9F70]  }
0x8c: {  	[tilespmem:s13+$0x9F10] =	vst v11;
	v4 =	vsub.f32 v9, v4  }
0x8d: {  	[tilespmem:s13+$0x9F20] =	vst v5;
	v3 =	vsub.f32 v8, v3  }
0x8e: {  	[tilespmem:s13+$0x9F30] =	vst v4;
	v2 =	vsub.f32 v6, v2  }
0x8f: {  	[tilespmem:s13+$0x9F40] =	vst v3;
	v1 =	vsub.f32 v7, v1  }
0x90: {  	s21 =	sadd.s32 s11, s14;
	[tilespmem:s13+$0x9F50] =	vst v2;
	v0 =	vsub.f32 v10, v0  }
0x91: {  	s21 =	sshll.u32 s21, $0x4;
	[tilespmem:s13+$0x9F60] =	vst v1  }
0x92: {  	s21 =	sadd.s32 s4, s21;
	[tilespmem:s13+$0x9F70] =	vst v0  }
0x93: {  	[hbm4b:s21+s5] =	stream.linear.scatter [tilespmem:s25], [sflag:$0x7], $0x2800, $0x38;
	[tilespmem:$0x1DF00] =	vst v63  }
0x94: {  	p0 =	seq.s32 s19, $0x18;
	_ =	swait.ge [sflag:s26], $0x2800  }
0x95: {  	s31 =	simm.s32 @!p0 $0x4F00;
	[sflag:s26] =	ssyncset.done $0x0  }
0x96: {  	s13 =	sadd.s32 @!p0 s11, s15;
	s21 =	simm.s32 @!p0 $0x50;
	[sflag:s26] =	ssyncadd.s32 $0xFFFFD800  }
0x97: {  	[tilespmem:s31], [sflag:$0x1] =	stream.indirect.gather @!p0 [hbm4b:s2+s21], $0x80, s13, s21, $0xb8;
	[tilespmem:$0x1DF00] =	vst v63  }
0x98: {  	s13 =	sadd.s32 @!p0 $0x2780, s13;
	s31 =	simm.s32 @!p0 $0x7700  }
0x99: {  	[tilespmem:s31], [sflag:$0x1] =	stream.indirect.gather @!p0 [hbm4b:s2+s21], $0x80, s13, s21, $0xb8;
	[tilespmem:$0x1DF00] =	vst v63  }
0x9a: {  	_ =	swait.ge [sflag:s29], $0x2800  }
0x9b: {  	[sflag:s29] =	ssyncset.done $0x0  }
0x9c: {  	[sflag:s29] =	ssyncadd.s32 $0xFFFFD800  }
0x9d: {  	_ =	swait.ge [sflag:s29], $0x2800  }
0x9e: {  	[sflag:s29] =	ssyncset.done $0x0  }
0x9f: {  	s13 =	simm.s32 $0x0;
	[sflag:s29] =	ssyncadd.s32 $0xFFFFD800  }
0xa0: {  	v7 =	vld [tilespmem:s13+$0x11700]  }
0xa1: {  	v11 =	vld [tilespmem:s13+$0x11710]  }
0xa2: {  	v5 =	vld [tilespmem:s13+$0x11720]  }
0xa3: {  	v4 =	vld [tilespmem:s13+$0x11730]  }
0xa4: {  	v3 =	vld [tilespmem:s13+$0x11740]  }
0xa5: {  	v2 =	vld [tilespmem:s13+$0x11750]  }
0xa6: {  	v1 =	vld [tilespmem:s13+$0x11760]  }
0xa7: {  	v0 =	vld [tilespmem:s13+$0x11770]  }
0xa8: {  	v12 =	vld [tilespmem:s13+$0xEF00]  }
0xa9: {  	v13 =	vld [tilespmem:s13+$0xEF10]  }
0xaa: {  	v10 =	vld [tilespmem:s13+$0xEF20]  }
0xab: {  	v9 =	vld [tilespmem:s13+$0xEF30]  }
0xac: {  	v8 =	vld [tilespmem:s13+$0xEF40]  }
0xad: {  	v6 =	vld [tilespmem:s13+$0xEF50];
	v12 =	vsub.f32 v12, v7  }
0xae: {  	s31 =	simm.s32 $0x200;
	v11 =	vsub.f32 v13, v11;
	v7 =	vld [tilespmem:s13+$0xEF60]  }
.LBB2_7:
0xaf: {  	s21 =	sshra.s32 s31, $0x2;
	p1 =	sne.s32 s31, $0x9E00;
	[tilespmem:s13+$0xEF00] =	vst v12;
	v5 =	vsub.f32 v10, v5;
	v10 =	vld [tilespmem:s13+$0xEF70]  }
0xb0: {  	v12 =	vld [tilespmem:s21+$0x11700];
	[tilespmem:s13+$0xEF10] =	vst v11;
	v4 =	vsub.f32 v9, v4  }
0xb1: {  	v11 =	vld [tilespmem:s21+$0x11710];
	[tilespmem:s13+$0xEF20] =	vst v5;
	v3 =	vsub.f32 v8, v3  }
0xb2: {  	v5 =	vld [tilespmem:s21+$0x11720];
	[tilespmem:s13+$0xEF30] =	vst v4;
	v2 =	vsub.f32 v6, v2  }
0xb3: {  	v4 =	vld [tilespmem:s21+$0x11730];
	[tilespmem:s13+$0xEF40] =	vst v3;
	v1 =	vsub.f32 v7, v1  }
0xb4: {  	v3 =	vld [tilespmem:s21+$0x11740];
	[tilespmem:s13+$0xEF50] =	vst v2;
	v0 =	vsub.f32 v10, v0  }
0xb5: {  	v2 =	vld [tilespmem:s21+$0x11750];
	[tilespmem:s13+$0xEF60] =	vst v1  }
0xb6: {  	v1 =	vld [tilespmem:s21+$0x11760];
	[tilespmem:s13+$0xEF70] =	vst v0;
	s13 =	smov.u32 s21  }
0xb7: {  	v0 =	vld [tilespmem:s13+$0x11770]  }
0xb8: {  	v6 =	vld [tilespmem:s13+$0xEF00]  }
0xb9: {  	v7 =	vld [tilespmem:s13+$0xEF10]  }
.Ltmp2:
0xba: {  	v10 =	vld [tilespmem:s13+$0xEF20];
	(pc) =	sbr.rel @p1 .LBB2_7-.Ltmp2, $4  }
0xbb: {  	v9 =	vld [tilespmem:s13+$0xEF30]  }
0xbc: {  	v8 =	vld [tilespmem:s13+$0xEF40]  }
0xbd: {  	v12 =	vsub.f32 v6, v12;
	v6 =	vld [tilespmem:s13+$0xEF50]  }
0xbe: {  	s31 =	sadd.s32 $0x200, s31;
	v11 =	vsub.f32 v7, v11;
	v7 =	vld [tilespmem:s13+$0xEF60]  }
0xbf: {  	[tilespmem:s13+$0xEF00] =	vst v12;
	v5 =	vsub.f32 v10, v5;
	v10 =	vld [tilespmem:s13+$0xEF70]  }
0xc0: {  	[tilespmem:s13+$0xEF10] =	vst v11;
	v4 =	vsub.f32 v9, v4  }
0xc1: {  	[tilespmem:s13+$0xEF20] =	vst v5;
	v3 =	vsub.f32 v8, v3  }
0xc2: {  	[tilespmem:s13+$0xEF30] =	vst v4;
	v2 =	vsub.f32 v6, v2  }
0xc3: {  	[tilespmem:s13+$0xEF40] =	vst v3;
	v1 =	vsub.f32 v7, v1  }
0xc4: {  	s21 =	sadd.s32 s11, s16;
	[tilespmem:s13+$0xEF50] =	vst v2;
	v0 =	vsub.f32 v10, v0  }
0xc5: {  	s21 =	sshll.u32 s21, $0x4;
	[tilespmem:s13+$0xEF60] =	vst v1  }
0xc6: {  	s21 =	sadd.s32 s4, s21;
	[tilespmem:s13+$0xEF70] =	vst v0  }
0xc7: {  	[hbm4b:s21+s5] =	stream.linear.scatter [tilespmem:s28], [sflag:$0x8], $0x2800, $0x38;
	[tilespmem:$0x1DF00] =	vst v63  }
0xc8: {  	_ =	swait.ge [sflag:s7], $0x2800  }
0xc9: {  	s31 =	simm.s32 @!p0 $0x9F00;
	[sflag:s7] =	ssyncset.done $0x0  }
0xca: {  	s13 =	sadd.s32 @!p0 s11, s17;
	s21 =	simm.s32 @!p0 $0x50;
	[sflag:s7] =	ssyncadd.s32 $0xFFFFD800  }
0xcb: {  	[tilespmem:s31], [sflag:$0x2] =	stream.indirect.gather @!p0 [hbm4b:s2+s21], $0x80, s13, s21, $0xb8;
	[tilespmem:$0x1DF00] =	vst v63  }
0xcc: {  	s13 =	sadd.s32 @!p0 $0x2780, s13;
	s31 =	simm.s32 @!p0 $0xC700  }
0xcd: {  	[tilespmem:s31], [sflag:$0x2] =	stream.indirect.gather @!p0 [hbm4b:s2+s21], $0x80, s13, s21, $0xb8;
	[tilespmem:$0x1DF00] =	vst v63  }
0xce: {  	_ =	swait.ge [sflag:s8], $0x2800  }
0xcf: {  	[sflag:s8] =	ssyncset.done $0x0  }
0xd0: {  	[sflag:s8] =	ssyncadd.s32 $0xFFFFD800  }
0xd1: {  	_ =	swait.ge [sflag:s8], $0x2800  }
0xd2: {  	[sflag:s8] =	ssyncset.done $0x0  }
0xd3: {  	s13 =	simm.s32 $0x0;
	[sflag:s8] =	ssyncadd.s32 $0xFFFFD800  }
0xd4: {  	v7 =	vld [tilespmem:s13+$0x16700]  }
0xd5: {  	v11 =	vld [tilespmem:s13+$0x16710]  }
0xd6: {  	v5 =	vld [tilespmem:s13+$0x16720]  }
0xd7: {  	v4 =	vld [tilespmem:s13+$0x16730]  }
0xd8: {  	v3 =	vld [tilespmem:s13+$0x16740]  }
0xd9: {  	v2 =	vld [tilespmem:s13+$0x16750]  }
0xda: {  	v1 =	vld [tilespmem:s13+$0x16760]  }
0xdb: {  	v0 =	vld [tilespmem:s13+$0x16770]  }
0xdc: {  	v12 =	vld [tilespmem:s13+$0x13F00]  }
0xdd: {  	v13 =	vld [tilespmem:s13+$0x13F10]  }
0xde: {  	v10 =	vld [tilespmem:s13+$0x13F20]  }
0xdf: {  	v9 =	vld [tilespmem:s13+$0x13F30]  }
0xe0: {  	v8 =	vld [tilespmem:s13+$0x13F40]  }
0xe1: {  	v6 =	vld [tilespmem:s13+$0x13F50];
	v12 =	vsub.f32 v12, v7  }
0xe2: {  	s31 =	simm.s32 $0x200;
	v11 =	vsub.f32 v13, v11;
	v7 =	vld [tilespmem:s13+$0x13F60]  }
.LBB2_9:
0xe3: {  	s21 =	sshra.s32 s31, $0x2;
	p1 =	sne.s32 s31, $0x9E00;
	[tilespmem:s13+$0x13F00] =	vst v12;
	v5 =	vsub.f32 v10, v5;
	v10 =	vld [tilespmem:s13+$0x13F70]  }
0xe4: {  	v12 =	vld [tilespmem:s21+$0x16700];
	[tilespmem:s13+$0x13F10] =	vst v11;
	v4 =	vsub.f32 v9, v4  }
0xe5: {  	v11 =	vld [tilespmem:s21+$0x16710];
	[tilespmem:s13+$0x13F20] =	vst v5;
	v3 =	vsub.f32 v8, v3  }
0xe6: {  	v5 =	vld [tilespmem:s21+$0x16720];
	[tilespmem:s13+$0x13F30] =	vst v4;
	v2 =	vsub.f32 v6, v2  }
0xe7: {  	v4 =	vld [tilespmem:s21+$0x16730];
	[tilespmem:s13+$0x13F40] =	vst v3;
	v1 =	vsub.f32 v7, v1  }
0xe8: {  	v3 =	vld [tilespmem:s21+$0x16740];
	[tilespmem:s13+$0x13F50] =	vst v2;
	v0 =	vsub.f32 v10, v0  }
0xe9: {  	v2 =	vld [tilespmem:s21+$0x16750];
	[tilespmem:s13+$0x13F60] =	vst v1  }
0xea: {  	v1 =	vld [tilespmem:s21+$0x16760];
	[tilespmem:s13+$0x13F70] =	vst v0;
	s13 =	smov.u32 s21  }
0xeb: {  	v0 =	vld [tilespmem:s13+$0x16770]  }
0xec: {  	v6 =	vld [tilespmem:s13+$0x13F00]  }
0xed: {  	v7 =	vld [tilespmem:s13+$0x13F10]  }
.Ltmp3:
0xee: {  	v10 =	vld [tilespmem:s13+$0x13F20];
	(pc) =	sbr.rel @p1 .LBB2_9-.Ltmp3, $4  }
0xef: {  	v9 =	vld [tilespmem:s13+$0x13F30]  }
0xf0: {  	v8 =	vld [tilespmem:s13+$0x13F40]  }
0xf1: {  	v12 =	vsub.f32 v6, v12;
	v6 =	vld [tilespmem:s13+$0x13F50]  }
0xf2: {  	s31 =	sadd.s32 $0x200, s31;
	v11 =	vsub.f32 v7, v11;
	v7 =	vld [tilespmem:s13+$0x13F60]  }
0xf3: {  	[tilespmem:s13+$0x13F00] =	vst v12;
	v5 =	vsub.f32 v10, v5;
	v10 =	vld [tilespmem:s13+$0x13F70]  }
0xf4: {  	[tilespmem:s13+$0x13F10] =	vst v11;
	v4 =	vsub.f32 v9, v4  }
0xf5: {  	[tilespmem:s13+$0x13F20] =	vst v5;
	v3 =	vsub.f32 v8, v3  }
0xf6: {  	[tilespmem:s13+$0x13F30] =	vst v4;
	v2 =	vsub.f32 v6, v2  }
0xf7: {  	[tilespmem:s13+$0x13F40] =	vst v3;
	v1 =	vsub.f32 v7, v1  }
0xf8: {  	s20 =	sadd.s32 s3, s20;
	[tilespmem:s13+$0x13F50] =	vst v2;
	v0 =	vsub.f32 v10, v0  }
0xf9: {  	s20 =	sshll.u32 s20, $0x4;
	[tilespmem:s13+$0x13F60] =	vst v1  }
0xfa: {  	s31 =	sadd.s32 s4, s20;
	[tilespmem:s13+$0x13F70] =	vst v0  }
0xfb: {  	[hbm4b:s31+s5] =	stream.linear.scatter [tilespmem:s30], [sflag:$0x9], $0x2800, $0x38;
	[tilespmem:$0x1DF00] =	vst v63  }
0xfc: {  	_ =	swait.ge [sflag:s9], $0x2800  }
0xfd: {  	s11 =	sadd.s32 @!p0 s11, s18;
	[sflag:s9] =	ssyncset.done $0x0  }
0xfe: {  	s20 =	simm.s32 @!p0 $0xEF00;
	s13 =	simm.s32 @!p0 $0x50;
	[sflag:s9] =	ssyncadd.s32 $0xFFFFD800  }
0xff: {  	[tilespmem:s20], [sflag:$0x3] =	stream.indirect.gather @!p0 [hbm4b:s2+s13], $0x80, s11, s13, $0xb8;
	[tilespmem:$0x1DF00] =	vst v63  }
0x100: {  	s11 =	sadd.s32 @!p0 $0x2780, s11;
	s20 =	simm.s32 @!p0 $0x11700  }
0x101: {  	[tilespmem:s20], [sflag:$0x3] =	stream.indirect.gather @!p0 [hbm4b:s2+s13], $0x80, s11, s13, $0xb8;
	[tilespmem:$0x1DF00] =	vst v63  }
0x102: {  	_ =	swait.ge [sflag:s10], $0x2800  }
0x103: {  	[sflag:s10] =	ssyncset.done $0x0  }
0x104: {  	[sflag:s10] =	ssyncadd.s32 $0xFFFFD800  }
0x105: {  	_ =	swait.ge [sflag:s10], $0x2800  }
0x106: {  	[sflag:s10] =	ssyncset.done $0x0  }
0x107: {  	s11 =	simm.s32 $0x0;
	[sflag:s10] =	ssyncadd.s32 $0xFFFFD800  }
0x108: {  	v7 =	vld [tilespmem:s11+$0x1B700]  }
0x109: {  	v11 =	vld [tilespmem:s11+$0x1B710]  }
0x10a: {  	v5 =	vld [tilespmem:s11+$0x1B720]  }
0x10b: {  	v4 =	vld [tilespmem:s11+$0x1B730]  }
0x10c: {  	v3 =	vld [tilespmem:s11+$0x1B740]  }
0x10d: {  	v2 =	vld [tilespmem:s11+$0x1B750]  }
0x10e: {  	v1 =	vld [tilespmem:s11+$0x1B760]  }
0x10f: {  	v0 =	vld [tilespmem:s11+$0x1B770]  }
0x110: {  	v12 =	vld [tilespmem:s11+$0x18F00]  }
0x111: {  	v13 =	vld [tilespmem:s11+$0x18F10]  }
0x112: {  	v10 =	vld [tilespmem:s11+$0x18F20]  }
0x113: {  	v9 =	vld [tilespmem:s11+$0x18F30]  }
0x114: {  	v8 =	vld [tilespmem:s11+$0x18F40]  }
0x115: {  	v6 =	vld [tilespmem:s11+$0x18F50];
	v12 =	vsub.f32 v12, v7  }
0x116: {  	s13 =	simm.s32 $0x200;
	v11 =	vsub.f32 v13, v11;
	v7 =	vld [tilespmem:s11+$0x18F60]  }
.LBB2_11:
0x117: {  	s20 =	sshra.s32 s13, $0x2;
	p0 =	sne.s32 s13, $0x9E00;
	[tilespmem:s11+$0x18F00] =	vst v12;
	v5 =	vsub.f32 v10, v5;
	v10 =	vld [tilespmem:s11+$0x18F70]  }
0x118: {  	v12 =	vld [tilespmem:s20+$0x1B700];
	[tilespmem:s11+$0x18F10] =	vst v11;
	v4 =	vsub.f32 v9, v4  }
0x119: {  	v11 =	vld [tilespmem:s20+$0x1B710];
	[tilespmem:s11+$0x18F20] =	vst v5;
	v3 =	vsub.f32 v8, v3  }
0x11a: {  	v5 =	vld [tilespmem:s20+$0x1B720];
	[tilespmem:s11+$0x18F30] =	vst v4;
	v2 =	vsub.f32 v6, v2  }
0x11b: {  	v4 =	vld [tilespmem:s20+$0x1B730];
	[tilespmem:s11+$0x18F40] =	vst v3;
	v1 =	vsub.f32 v7, v1  }
0x11c: {  	v3 =	vld [tilespmem:s20+$0x1B740];
	[tilespmem:s11+$0x18F50] =	vst v2;
	v0 =	vsub.f32 v10, v0  }
0x11d: {  	v2 =	vld [tilespmem:s20+$0x1B750];
	[tilespmem:s11+$0x18F60] =	vst v1  }
0x11e: {  	v1 =	vld [tilespmem:s20+$0x1B760];
	[tilespmem:s11+$0x18F70] =	vst v0;
	s11 =	smov.u32 s20  }
0x11f: {  	v0 =	vld [tilespmem:s11+$0x1B770]  }
0x120: {  	v6 =	vld [tilespmem:s11+$0x18F00]  }
0x121: {  	v7 =	vld [tilespmem:s11+$0x18F10]  }
.Ltmp4:
0x122: {  	v10 =	vld [tilespmem:s11+$0x18F20];
	(pc) =	sbr.rel @p0 .LBB2_11-.Ltmp4, $4  }
0x123: {  	v9 =	vld [tilespmem:s11+$0x18F30]  }
0x124: {  	v8 =	vld [tilespmem:s11+$0x18F40]  }
0x125: {  	v12 =	vsub.f32 v6, v12;
	v6 =	vld [tilespmem:s11+$0x18F50]  }
0x126: {  	s13 =	sadd.s32 $0x200, s13;
	v11 =	vsub.f32 v7, v11;
	v7 =	vld [tilespmem:s11+$0x18F60]  }
0x127: {  	[tilespmem:s11+$0x18F00] =	vst v12;
	v5 =	vsub.f32 v10, v5;
	v63 =	vld [tilespmem:s11+$0x18F70]  }
0x128: {  	[tilespmem:s11+$0x18F10] =	vst v11;
	v4 =	vsub.f32 v9, v4  }
0x129: {  	s19 =	sadd.s32 $0x1, s19;
	[tilespmem:s11+$0x18F20] =	vst v5;
	v3 =	vsub.f32 v8, v3  }
0x12a: {  	p0 =	sne.s32 s19, $0x19;
	[tilespmem:s11+$0x18F30] =	vst v4;
	v2 =	vsub.f32 v6, v2  }
.Ltmp5:
0x12b: {  	[tilespmem:s11+$0x18F40] =	vst v3;
	v1 =	vsub.f32 v7, v1;
	(pc) =	sbr.rel @p0 .LBB2_2-.Ltmp5, $4  }
0x12c: {  	s12 =	sadd.s32 s3, s12;
	[tilespmem:s11+$0x18F50] =	vst v2;
	v0 =	vsub.f32 v63, v0  }
0x12d: {  	s12 =	sshll.u32 s12, $0x4;
	[tilespmem:s11+$0x18F60] =	vst v1  }
0x12e: {  	s31 =	sadd.s32 s4, s12;
	[tilespmem:s11+$0x18F70] =	vst v0  }
0x12f: {  	[hbm4b:s31+s5] =	stream.linear.scatter [tilespmem:s0], [sflag:$0xA], $0x2800, $0x38;
	[tilespmem:$0x1DF00] =	vst v63  }
0x130: {  	s11 =	simm.s32 $0x9  }
0x131: {  	_ =	swait.ge [sflag:s11], $0x2800  }
0x132: {  	[sflag:s11] =	ssyncset.done $0x0  }
0x133: {  	s12 =	simm.s32 $0xA;
	[sflag:s11] =	ssyncadd.s32 $0xFFFFD800  }
0x134: {  	_ =	swait.ge [sflag:s12], $0x2800  }
0x135: {  	s13 =	rddreg [dreg:$0xc]  }
0x136: {  	s31 =	rddreg [dreg:$0xb];
	s13 =	sadd.s32 $0x1, s13  }
0x137: {  	p0 =	sne.s32 s13, s31  }
.Ltmp6:
0x138: {  	_ = 	snop;
	(pc) =	sbr.rel @p0 .LBB2_1-.Ltmp6, $3  }
0x139: {  	_ =	sdelay $0x1  }
0x13a: {  	[sflag:s12] =	ssyncset.done $0x0  }
0x13b: {  	[sflag:s12] =	ssyncadd.s32 $0xFFFFD800  }
0x13c: {  	_ =	sfence.sel $0x180000  }
0x13d: {  	[bflag:$0x0] =	sbarrier.arrive $0xFFFF  }
0x13e: {  	_ =	strace $0x90000047  }
0x13f: {  	s0 =	stileid.u32;
	[bflag:$0x2] =	sbarrier.arrive $0xFFFF  }
0x140: {  	p0 =	sne.s32 s0, $0x0;
	s0 =	rddreg [dreg:$0x3]  }
0x141: {  	s0 =	sadd.s32 @!p0 $0x100000, s0  }
0x142: {  	[sflag:s0] =	ssyncadd.tile.s32 @!p0 $0x1;
	_ =	shalt  }
.Lfunc_end2:
_tile_overlayer_lowered:
.L_overlay_start_2:
0x143: {  	(tag) =	ssettag $0x2  }
0x144: {  	s0 =	rddreg [dreg:$0x0];
	s2 =	stileid.u32  }
0x145: {  	s1 =	rddreg [dreg:$0x1];
	p0 =	sne.s32 s2, $0x0  }
0x146: {  	s3 =	rddreg [dreg:$0x2];
	[bflag:$0x3] =	sbarrier.arrive $0xFFFF;
	s2 =	simm.s32 @!p0 $0x1C0B  }
0x147: {  	[timem:s3], [sflag:s2] =	dma.local @!p0 [hbm:s0], s1  }
0x148: {  	s0 =	simm.s32 @!p0 $0xB  }
0x149: {  	_ =	swait.ge @!p0 [sflag:s0], s1  }
0x14a: {  	s1 =	ssub.s32 @!p0 $0x0, s1;
	[sflag:s0] =	ssyncset.done @!p0 $0x0  }
0x14b: {  	[sflag:s0] =	ssyncadd.s32 @!p0 s1  }
0x14c: {  	[bflag:$0x3] =	sbarrier.arrive $0xFFFF  }
0x14d: {  	_ =	shalt  }

</sc_bundles>
